<compile_context>
chip_gen: v7x
topology: tpu7x:2x2x1
jax: 0.10.2.dev20260603
libtpu: 0.0.44.dev20260713+nightly
codegen_flags: <defaults>
</compile_context>

<pallas_src>
import functools

import jax
import jax.numpy as jnp
from jax import lax
from jax.experimental import pallas as pl
from jax.experimental.pallas import tpu as pltpu
from jax.experimental.pallas import tpu_sc as plsc

LANES = 16
CHUNK = 16
NBUF = 4
EPS = 1e-12

_DNUMS = lax.GatherDimensionNumbers(
    offset_dims=(), collapsed_slice_dims=(0,), start_index_map=(0,))


def _shuffle(x, perm):
    return lax.gather(x, perm.reshape(LANES, 1), _DNUMS, slice_sizes=(1,),
                      mode=lax.GatherScatterMode.PROMISE_IN_BOUNDS)


def _lane_sum(x):
    iota = lax.iota(jnp.int32, LANES)
    for k in (8, 4, 2, 1):
        x = x + _shuffle(x, lax.bitwise_xor(iota, k))
    return x


def _lane_bcast(x, r):
    return _shuffle(x, lax.broadcast_in_dim(r, (LANES,), ()))


def _rsqrt(v):
    bits = lax.bitcast_convert_type(v, jnp.int32)
    ones = jnp.full((LANES,), 1, jnp.int32)
    bits = 0x5F3759DF - lax.shift_right_logical(bits, ones)
    y = lax.bitcast_convert_type(bits, jnp.float32)
    half = v * 0.5
    for _ in range(2):
        y = y * (1.5 - half * y * y)
    return y


@functools.lru_cache(maxsize=None)
def _make_sc_kernel(n_tokens, seq, hidden):
    info = plsc.get_sparse_core_info()
    n_workers = info.num_cores * info.num_subcores
    assert n_tokens % (n_workers * seq) == 0, "each worker owns whole sequences"
    tok_per_w = n_tokens // n_workers
    seq_per_w = tok_per_w // seq
    n_chunks = tok_per_w // CHUNK
    assert n_chunks % NBUF == 0
    assert seq % CHUNK == 0 and hidden % (4 * LANES) == 0
    hchunks = hidden // LANES
    inv_h = 1.0 / hidden

    @functools.partial(
        pl.kernel,
        out_type=jax.ShapeDtypeStruct((n_tokens, hidden), jnp.float32),
        mesh=plsc.VectorSubcoreMesh(core_axis_name="c", subcore_axis_name="s"),
        scratch_types=[
            pltpu.VMEM((tok_per_w,), jnp.int32),
            pltpu.VMEM((n_chunks,), jnp.int32),
            pltpu.VMEM((CHUNK, hidden), jnp.float32),
            pltpu.VMEM((NBUF * CHUNK, hidden), jnp.float32),
            pltpu.VMEM((hidden,), jnp.float32),
            pltpu.VMEM((hidden,), jnp.float32),
            pltpu.VMEM((hidden,), jnp.float32),
            pltpu.SemaphoreType.DMA,
            pltpu.SemaphoreType.DMA,
            pltpu.SemaphoreType.DMA,
            pltpu.SemaphoreType.DMA,
        ],
    )
    def sc_kernel(ids_hbm, tpk_hbm, word_hbm, pose0_hbm, dt_hbm, gamma_hbm,
                  beta_hbm, out_hbm, ids_v, tpk_v, pos_v, rows_v,
                  gamma_v, beta_v, dt_v, gsem0, gsem1, wsem0, wsem1):
        wid = lax.axis_index("s") * info.num_cores + lax.axis_index("c")
        tok0 = wid * tok_per_w
        pltpu.sync_copy(ids_hbm.at[pl.ds(tok0, tok_per_w)], ids_v)
        pltpu.sync_copy(tpk_hbm.at[pl.ds(wid * n_chunks, n_chunks)], tpk_v)
        pltpu.sync_copy(gamma_hbm, gamma_v)
        pltpu.sync_copy(beta_hbm, beta_v)
        pltpu.sync_copy(dt_hbm, dt_v)
        iota = lax.iota(jnp.int32, LANES)

        def chunk_off(t):
            b = lax.rem(t, seq_per_w)
            j = t // seq_per_w
            return b, j, b * seq + j * CHUNK

        def issue_gather(t, gsem):
            _, _, off = chunk_off(t)
            base = lax.rem(t, NBUF) * CHUNK
            pltpu.async_copy(word_hbm.at[ids_v.at[pl.ds(off, CHUNK)]],
                             rows_v.at[pl.ds(base, CHUNK)], gsem)
            return None

        def wait_gather(gsem):
            pltpu.make_async_copy(word_hbm.at[pl.ds(0, CHUNK)],
                                  rows_v.at[pl.ds(0, CHUNK)], gsem).wait()

        def wait_write(wsem):
            pltpu.make_async_copy(rows_v.at[pl.ds(0, CHUNK)],
                                  out_hbm.at[pl.ds(0, CHUNK)], wsem).wait()

        issue_gather(jnp.int32(0), gsem0)
        issue_gather(jnp.int32(1), gsem1)

        def chunk_body(t, carry):
            b, j, off = chunk_off(t)
            base = lax.rem(t, NBUF) * CHUNK
            even = lax.rem(t, 2) == 0
            pl.when(b == 0)(
                lambda: pltpu.sync_copy(pose0_hbm.at[pl.ds(j * CHUNK, CHUNK)],
                                        pos_v))

            def dma_front(gsem, wsem):
                def run():
                    wait_gather(gsem)
                    pl.when(t >= 2)(lambda: wait_write(wsem))
                    pl.when(t + 2 < n_chunks)(lambda: issue_gather(t + 2, gsem))
                return run

            pl.when(even)(dma_front(gsem0, wsem0))
            pl.when(jnp.logical_not(even))(dma_front(gsem1, wsem1))

            twords = tpk_v[pl.ds((t // LANES) * LANES, LANES)]
            tword = _lane_bcast(twords, lax.rem(t, LANES))
            tf = (lax.shift_right_logical(tword, iota) & 1).astype(jnp.float32)

            def row_body(r, rcarry):
                row = base + r
                t_r = _lane_bcast(tf, r)
                zero = jnp.zeros((LANES,), jnp.float32)

                @plsc.parallel_loop(0, hchunks // 4, carry=(zero,) * 8,
                                    unroll=4)
                def p1(ci, acc):
                    accs = list(acc)
                    for k in range(4):
                        sl = pl.ds((ci * 4 + k) * LANES, LANES)
                        x = rows_v[row, sl] + pos_v[r, sl] + t_r * dt_v[sl]
                        rows_v[row, sl] = x
                        accs[k] = accs[k] + x
                        accs[4 + k] = accs[4 + k] + x * x
                    return tuple(accs)

                accv = (p1[0] + p1[1]) + (p1[2] + p1[3])
                accsqv = (p1[4] + p1[5]) + (p1[6] + p1[7])
                mean_v = _lane_sum(accv) * inv_h
                var_v = _lane_sum(accsqv) * inv_h - mean_v * mean_v
                y = _rsqrt(var_v + EPS)

                @plsc.parallel_loop(0, hchunks, unroll=8)
                def p2(c):
                    sl = pl.ds(c * LANES, LANES)
                    xhat = (rows_v[row, sl] - mean_v) * y
                    rows_v[row, sl] = xhat * gamma_v[sl] + beta_v[sl]

                return rcarry

            lax.fori_loop(0, CHUNK, row_body, 0)
            wout = out_hbm.at[pl.ds(tok0 + off, CHUNK)]
            src = rows_v.at[pl.ds(base, CHUNK)]

            def start_write(wsem):
                def run():
                    pltpu.async_copy(src, wout, wsem)
                return run

            pl.when(even)(start_write(wsem0))
            pl.when(jnp.logical_not(even))(start_write(wsem1))
            return carry

        lax.fori_loop(0, n_chunks, chunk_body, 0)
        wait_write(wsem0)
        wait_write(wsem1)

    return sc_kernel


def kernel(input_ids, token_type_ids, word_embeddings, position_embeddings,
           token_type_embeddings, gamma, beta):
    batch, seq = input_ids.shape
    hidden = word_embeddings.shape[1]
    n_tokens = batch * seq
    ids = input_ids.reshape(-1).astype(jnp.int32)
    tids = token_type_ids.reshape(-1).astype(jnp.int32)
    info = plsc.get_sparse_core_info()
    n_workers = info.num_cores * info.num_subcores
    seq_per_w = n_tokens // seq // n_workers
    slots = seq // CHUNK
    tpk = (tids.reshape(n_workers, seq_per_w, slots, LANES)
           * (1 << jnp.arange(LANES, dtype=jnp.int32))).sum(
               axis=-1, dtype=jnp.int32).transpose(0, 2, 1).reshape(-1)
    pose0 = position_embeddings[:seq] + token_type_embeddings[0][None, :]
    dt = token_type_embeddings[1] - token_type_embeddings[0]
    sc = _make_sc_kernel(n_tokens, seq, hidden)
    out = sc(ids, tpk, word_embeddings, pose0, dt, gamma, beta)
    return out.reshape(batch, seq, hidden)

# --- scband reference (transcript-rebuilt; emitter-appended) ---
"""Pipeline reference for scband-bert-embeddings-47339129536516 (READ-ONLY COPY).

The authoritative reference and input builder live on the scoring server;
editing this copy changes nothing except your own understanding.
"""

import jax, jax.numpy as jnp
import numpy as np

VOCAB = 30522
HIDDEN = 768
MAX_POS = 512
TYPE_VOCAB = 2
EPS = 1e-12
BATCH = 1024
SEQ = 512


def setup_inputs(seed: int = 0) -> dict:
    key = jax.random.key(seed)
    k1, k2, k3, k4, k5, k6 = jax.random.split(key, 6)
    input_ids = jax.random.randint(k1, (BATCH, SEQ), 0, VOCAB, dtype=jnp.int64 if jax.config.jax_enable_x64 else jnp.int32)
    token_type_ids = jax.random.randint(k2, (BATCH, SEQ), 0, TYPE_VOCAB, dtype=input_ids.dtype)
    word_embeddings = jax.random.normal(k3, (VOCAB, HIDDEN), dtype=jnp.float32) * 0.02
    position_embeddings = jax.random.normal(k4, (MAX_POS, HIDDEN), dtype=jnp.float32) * 0.02
    token_type_embeddings = jax.random.normal(k5, (TYPE_VOCAB, HIDDEN), dtype=jnp.float32) * 0.02
    gamma = jnp.ones((HIDDEN,), dtype=jnp.float32)
    beta = jnp.zeros((HIDDEN,), dtype=jnp.float32)
    return {
        "input_ids": input_ids,
        "token_type_ids": token_type_ids,
        "word_embeddings": word_embeddings,
        "position_embeddings": position_embeddings,
        "token_type_embeddings": token_type_embeddings,
        "gamma": gamma,
        "beta": beta,
    }


def _layer_norm(x, gamma, beta, eps=EPS):
    mean = jnp.mean(x, axis=-1, keepdims=True)
    var = jnp.mean((x - mean) ** 2, axis=-1, keepdims=True)
    xhat = (x - mean) / jnp.sqrt(var + eps)
    return xhat * gamma + beta


def reference(input_ids, token_type_ids, word_embeddings, position_embeddings, token_type_embeddings, gamma, beta):
    seq_length = input_ids.shape[1]
    start_offset = 0
    position_ids = jnp.arange(seq_length, dtype=input_ids.dtype) + start_offset
    position_ids = jnp.broadcast_to(position_ids[None, :], input_ids.shape)
    words_emb = jnp.take(word_embeddings, input_ids, axis=0)
    pos_emb = jnp.take(position_embeddings, position_ids, axis=0)
    type_emb = jnp.take(token_type_embeddings, token_type_ids, axis=0)
    embeddings = words_emb + pos_emb + type_emb
    # turns == 0 -> no dialog position embeddings
    embeddings = _layer_norm(embeddings, gamma, beta)
    # dropout is identity in eval mode
    return embeddings

if __name__ == "__main__":
    import jax
    _d = setup_inputs()
    print(jax.jit(kernel)(*tuple(_d.values())))

</pallas_src>

<mosaic_0001>
#map = affine_map<(d0, d1) -> (0)>
#map1 = affine_map<(d0, d1) -> (0, 0)>
module attributes {stable_mosaic.version = 14 : i64} {
  func.func @sc_kernel(%arg0: i32, %arg1: i32, %arg2: memref<524288xi32, #tpu.memory_space<hbm>>, %arg3: memref<32768xi32, #tpu.memory_space<hbm>>, %arg4: memref<30522x768xf32, #tpu.memory_space<hbm>>, %arg5: memref<512x768xf32, #tpu.memory_space<hbm>>, %arg6: memref<768xf32, #tpu.memory_space<hbm>>, %arg7: memref<768xf32, #tpu.memory_space<hbm>>, %arg8: memref<768xf32, #tpu.memory_space<hbm>>, %arg9: memref<524288x768xf32, #tpu.memory_space<hbm>>, %arg10: memref<16384xi32, #tpu.memory_space<vmem>>, %arg11: memref<1024xi32, #tpu.memory_space<vmem>>, %arg12: memref<16x768xf32, #tpu.memory_space<vmem>>, %arg13: memref<64x768xf32, #tpu.memory_space<vmem>>, %arg14: memref<768xf32, #tpu.memory_space<vmem>>, %arg15: memref<768xf32, #tpu.memory_space<vmem>>, %arg16: memref<768xf32, #tpu.memory_space<vmem>>, %arg17: memref<!tpu.dma_semaphore, #tpu.memory_space<semaphore_mem>>, %arg18: memref<!tpu.dma_semaphore, #tpu.memory_space<semaphore_mem>>, %arg19: memref<!tpu.dma_semaphore, #tpu.memory_space<semaphore_mem>>, %arg20: memref<!tpu.dma_semaphore, #tpu.memory_space<semaphore_mem>>) attributes {dimension_semantics = [#tpu.dimension_semantics<core_parallel>, #tpu.dimension_semantics<subcore_parallel>], iteration_bounds = array<i64: 2, 16>, scalar_prefetch = 0 : i64, scratch_operands = 11 : i64, tpu.core_type = #tpu.core_type<sc_vector_subcore>, window_params = [{transform_indices = #map}, {transform_indices = #map}, {transform_indices = #map1}, {transform_indices = #map1}, {transform_indices = #map}, {transform_indices = #map}, {transform_indices = #map}, {transform_indices = #map1}]} {
    %mul3A = arith.constant 2 : i32
    %mul3A_0 = arith.muli %arg1, %mul3A : i32
    %add3A = arith.addi %mul3A_0, %arg0 : i32
    %mul3A_1 = arith.constant 16384 : i32
    %mul3A_2 = arith.muli %add3A, %mul3A_1 : i32
    "tpu.region"() ({
      %run_scoped3A = tpu.sem_alloc : memref<!tpu.dma_semaphore, #tpu.memory_space<semaphore_mem>>
      %dma_start3A_112 = tpu.memref_slice %arg2[%mul3A_2] : memref<524288xi32, #tpu.memory_space<hbm>> -> memref<16384xi32, #tpu.memory_space<hbm>>
      %dma_start3A_113 = tpu.memref_slice %arg2[%mul3A_2] : memref<524288xi32, #tpu.memory_space<hbm>> -> memref<16384xi32, #tpu.memory_space<hbm>>
      tpu.enqueue_dma source(%dma_start3A_113 : memref<16384xi32, #tpu.memory_space<hbm>>) target(%arg10 : memref<16384xi32, #tpu.memory_space<vmem>>) target_semaphore(%run_scoped3A : memref<!tpu.dma_semaphore, #tpu.memory_space<semaphore_mem>>)
      %dma_wait3A_114 = tpu.memref_slice %arg2[%mul3A_2] : memref<524288xi32, #tpu.memory_space<hbm>> -> memref<16384xi32, #tpu.memory_space<hbm>>
      %dma_wait3A_115 = tpu.memref_slice %arg2[%mul3A_2] : memref<524288xi32, #tpu.memory_space<hbm>> -> memref<16384xi32, #tpu.memory_space<hbm>>
      tpu.wait_dma2 semaphore(%run_scoped3A : memref<!tpu.dma_semaphore, #tpu.memory_space<semaphore_mem>>) src(%dma_wait3A_115 : memref<16384xi32, #tpu.memory_space<hbm>>) dst(%arg10 : memref<16384xi32, #tpu.memory_space<vmem>>)
      tpu.yield
    }) : () -> ()
    %mul3A_3 = arith.constant 1024 : i32
    %mul3A_4 = arith.muli %add3A, %mul3A_3 : i32
    "tpu.region"() ({
      %run_scoped3A = tpu.sem_alloc : memref<!tpu.dma_semaphore, #tpu.memory_space<semaphore_mem>>
      %dma_start3A_112 = tpu.memref_slice %arg3[%mul3A_4] : memref<32768xi32, #tpu.memory_space<hbm>> -> memref<1024xi32, #tpu.memory_space<hbm>>
      %dma_start3A_113 = tpu.memref_slice %arg3[%mul3A_4] : memref<32768xi32, #tpu.memory_space<hbm>> -> memref<1024xi32, #tpu.memory_space<hbm>>
      tpu.enqueue_dma source(%dma_start3A_113 : memref<1024xi32, #tpu.memory_space<hbm>>) target(%arg11 : memref<1024xi32, #tpu.memory_space<vmem>>) target_semaphore(%run_scoped3A : memref<!tpu.dma_semaphore, #tpu.memory_space<semaphore_mem>>)
      %dma_wait3A_114 = tpu.memref_slice %arg3[%mul3A_4] : memref<32768xi32, #tpu.memory_space<hbm>> -> memref<1024xi32, #tpu.memory_space<hbm>>
      %dma_wait3A_115 = tpu.memref_slice %arg3[%mul3A_4] : memref<32768xi32, #tpu.memory_space<hbm>> -> memref<1024xi32, #tpu.memory_space<hbm>>
      tpu.wait_dma2 semaphore(%run_scoped3A : memref<!tpu.dma_semaphore, #tpu.memory_space<semaphore_mem>>) src(%dma_wait3A_115 : memref<1024xi32, #tpu.memory_space<hbm>>) dst(%arg11 : memref<1024xi32, #tpu.memory_space<vmem>>)
      tpu.yield
    }) : () -> ()
    "tpu.region"() ({
      %run_scoped3A = tpu.sem_alloc : memref<!tpu.dma_semaphore, #tpu.memory_space<semaphore_mem>>
      tpu.enqueue_dma source(%arg7 : memref<768xf32, #tpu.memory_space<hbm>>) target(%arg14 : memref<768xf32, #tpu.memory_space<vmem>>) target_semaphore(%run_scoped3A : memref<!tpu.dma_semaphore, #tpu.memory_space<semaphore_mem>>)
      tpu.wait_dma2 semaphore(%run_scoped3A : memref<!tpu.dma_semaphore, #tpu.memory_space<semaphore_mem>>) src(%arg7 : memref<768xf32, #tpu.memory_space<hbm>>) dst(%arg14 : memref<768xf32, #tpu.memory_space<vmem>>)
      tpu.yield
    }) : () -> ()
    "tpu.region"() ({
      %run_scoped3A = tpu.sem_alloc : memref<!tpu.dma_semaphore, #tpu.memory_space<semaphore_mem>>
      tpu.enqueue_dma source(%arg8 : memref<768xf32, #tpu.memory_space<hbm>>) target(%arg15 : memref<768xf32, #tpu.memory_space<vmem>>) target_semaphore(%run_scoped3A : memref<!tpu.dma_semaphore, #tpu.memory_space<semaphore_mem>>)
      tpu.wait_dma2 semaphore(%run_scoped3A : memref<!tpu.dma_semaphore, #tpu.memory_space<semaphore_mem>>) src(%arg8 : memref<768xf32, #tpu.memory_space<hbm>>) dst(%arg15 : memref<768xf32, #tpu.memory_space<vmem>>)
      tpu.yield
    }) : () -> ()
    "tpu.region"() ({
      %run_scoped3A = tpu.sem_alloc : memref<!tpu.dma_semaphore, #tpu.memory_space<semaphore_mem>>
      tpu.enqueue_dma source(%arg6 : memref<768xf32, #tpu.memory_space<hbm>>) target(%arg16 : memref<768xf32, #tpu.memory_space<vmem>>) target_semaphore(%run_scoped3A : memref<!tpu.dma_semaphore, #tpu.memory_space<semaphore_mem>>)
      tpu.wait_dma2 semaphore(%run_scoped3A : memref<!tpu.dma_semaphore, #tpu.memory_space<semaphore_mem>>) src(%arg6 : memref<768xf32, #tpu.memory_space<hbm>>) dst(%arg16 : memref<768xf32, #tpu.memory_space<vmem>>)
      tpu.yield
    }) : () -> ()
    %iota3A = tpu.iota {dimensions = array<i32: 0>} : vector<16xi32>
    %rem3A = arith.constant 0 : i32
    %rem3A_5 = arith.constant 32 : i32
    %rem3A_6 = arith.remsi %rem3A, %rem3A_5 : i32
    %jit3A = arith.constant 0 : i32
    %jit3A_7 = arith.constant 32 : i32
    %div3A = arith.divsi %jit3A, %jit3A_7 : i32
    %sign3A = arith.constant 0 : i32
    %sign3A_8 = arith.cmpi sgt, %jit3A, %sign3A : i32
    %sign3A_9 = arith.extui %sign3A_8 : i1 to i32
    %sign3A_10 = arith.constant 0 : i32
    %sign3A_11 = arith.cmpi slt, %jit3A, %sign3A_10 : i32
    %sign3A_12 = arith.extui %sign3A_11 : i1 to i32
    %sign3A_13 = arith.subi %sign3A_9, %sign3A_12 : i32
    %sign3A_14 = arith.constant 0 : i32
    %sign3A_15 = arith.cmpi sgt, %jit3A_7, %sign3A_14 : i32
    %sign3A_16 = arith.extui %sign3A_15 : i1 to i32
    %sign3A_17 = arith.constant 0 : i32
    %sign3A_18 = arith.cmpi slt, %jit3A_7, %sign3A_17 : i32
    %sign3A_19 = arith.extui %sign3A_18 : i1 to i32
    %sign3A_20 = arith.subi %sign3A_16, %sign3A_19 : i32
    %ne3A = arith.cmpi ne, %sign3A_13, %sign3A_20 : i32
    %rem3A_21 = arith.remsi %jit3A, %jit3A_7 : i32
    %ne3A_22 = arith.constant 0 : i32
    %ne3A_23 = arith.cmpi ne, %rem3A_21, %ne3A_22 : i32
    %and3A = arith.andi %ne3A, %ne3A_23 : i1
    %sub3A = arith.constant 1 : i32
    %sub3A_24 = arith.subi %div3A, %sub3A : i32
    %select_n3A = arith.select %and3A, %sub3A_24, %div3A : i32
    %mul3A_25 = arith.constant 512 : i32
    %mul3A_26 = arith.muli %rem3A_6, %mul3A_25 : i32
    %mul3A_27 = arith.constant 16 : i32
    %mul3A_28 = arith.muli %select_n3A, %mul3A_27 : i32
    %add3A_29 = arith.addi %mul3A_26, %mul3A_28 : i32
    %rem3A_30 = arith.constant 0 : i32
    %rem3A_31 = arith.constant 4 : i32
    %rem3A_32 = arith.remsi %rem3A_30, %rem3A_31 : i32
    %mul3A_33 = arith.constant 16 : i32
    %mul3A_34 = arith.muli %rem3A_32, %mul3A_33 : i32
    %dma_start3A = arith.constant 0 : i32
    %dma_start3A_35 = tpu.memref_slice %arg13[%mul3A_34, %dma_start3A] : memref<64x768xf32, #tpu.memory_space<vmem>> -> memref<16x768xf32, #tpu.memory_space<vmem>>
    %dma_start3A_36 = tpu.memref_slice %arg10[%add3A_29] : memref<16384xi32, #tpu.memory_space<vmem>> -> memref<16xi32, #tpu.memory_space<vmem>>
    %dma_start3A_37 = arith.constant 0 : i32
    %dma_start3A_38 = arith.constant 0 : i32
    %dma_start3A_39 = tpu.memref_slice %arg4[%dma_start3A_37, %dma_start3A_38] : memref<30522x768xf32, #tpu.memory_space<hbm>> -> memref<30522x768xf32, #tpu.memory_space<hbm>>
    tpu.enqueue_indirect_dma source(%dma_start3A_39 : memref<30522x768xf32, #tpu.memory_space<hbm>>) target(%dma_start3A_35 : memref<16x768xf32, #tpu.memory_space<vmem>>) offsets(%dma_start3A_36 : memref<16xi32, #tpu.memory_space<vmem>>) semaphore(%arg17 : memref<!tpu.dma_semaphore, #tpu.memory_space<semaphore_mem>>)
    %rem3A_40 = arith.constant 1 : i32
    %rem3A_41 = arith.constant 32 : i32
    %rem3A_42 = arith.remsi %rem3A_40, %rem3A_41 : i32
    %jit3A_43 = arith.constant 1 : i32
    %jit3A_44 = arith.constant 32 : i32
    %div3A_45 = arith.divsi %jit3A_43, %jit3A_44 : i32
    %sign3A_46 = arith.constant 0 : i32
    %sign3A_47 = arith.cmpi sgt, %jit3A_43, %sign3A_46 : i32
    %sign3A_48 = arith.extui %sign3A_47 : i1 to i32
    %sign3A_49 = arith.constant 0 : i32
    %sign3A_50 = arith.cmpi slt, %jit3A_43, %sign3A_49 : i32
    %sign3A_51 = arith.extui %sign3A_50 : i1 to i32
    %sign3A_52 = arith.subi %sign3A_48, %sign3A_51 : i32
    %sign3A_53 = arith.constant 0 : i32
    %sign3A_54 = arith.cmpi sgt, %jit3A_44, %sign3A_53 : i32
    %sign3A_55 = arith.extui %sign3A_54 : i1 to i32
    %sign3A_56 = arith.constant 0 : i32
    %sign3A_57 = arith.cmpi slt, %jit3A_44, %sign3A_56 : i32
    %sign3A_58 = arith.extui %sign3A_57 : i1 to i32
    %sign3A_59 = arith.subi %sign3A_55, %sign3A_58 : i32
    %ne3A_60 = arith.cmpi ne, %sign3A_52, %sign3A_59 : i32
    %rem3A_61 = arith.remsi %jit3A_43, %jit3A_44 : i32
    %ne3A_62 = arith.constant 0 : i32
    %ne3A_63 = arith.cmpi ne, %rem3A_61, %ne3A_62 : i32
    %and3A_64 = arith.andi %ne3A_60, %ne3A_63 : i1
    %sub3A_65 = arith.constant 1 : i32
    %sub3A_66 = arith.subi %div3A_45, %sub3A_65 : i32
    %select_n3A_67 = arith.select %and3A_64, %sub3A_66, %div3A_45 : i32
    %mul3A_68 = arith.constant 512 : i32
    %mul3A_69 = arith.muli %rem3A_42, %mul3A_68 : i32
    %mul3A_70 = arith.constant 16 : i32
    %mul3A_71 = arith.muli %select_n3A_67, %mul3A_70 : i32
    %add3A_72 = arith.addi %mul3A_69, %mul3A_71 : i32
    %rem3A_73 = arith.constant 1 : i32
    %rem3A_74 = arith.constant 4 : i32
    %rem3A_75 = arith.remsi %rem3A_73, %rem3A_74 : i32
    %mul3A_76 = arith.constant 16 : i32
    %mul3A_77 = arith.muli %rem3A_75, %mul3A_76 : i32
    %dma_start3A_78 = arith.constant 0 : i32
    %dma_start3A_79 = tpu.memref_slice %arg13[%mul3A_77, %dma_start3A_78] : memref<64x768xf32, #tpu.memory_space<vmem>> -> memref<16x768xf32, #tpu.memory_space<vmem>>
    %dma_start3A_80 = tpu.memref_slice %arg10[%add3A_72] : memref<16384xi32, #tpu.memory_space<vmem>> -> memref<16xi32, #tpu.memory_space<vmem>>
    %dma_start3A_81 = arith.constant 0 : i32
    %dma_start3A_82 = arith.constant 0 : i32
    %dma_start3A_83 = tpu.memref_slice %arg4[%dma_start3A_81, %dma_start3A_82] : memref<30522x768xf32, #tpu.memory_space<hbm>> -> memref<30522x768xf32, #tpu.memory_space<hbm>>
    tpu.enqueue_indirect_dma source(%dma_start3A_83 : memref<30522x768xf32, #tpu.memory_space<hbm>>) target(%dma_start3A_79 : memref<16x768xf32, #tpu.memory_space<vmem>>) offsets(%dma_start3A_80 : memref<16xi32, #tpu.memory_space<vmem>>) semaphore(%arg18 : memref<!tpu.dma_semaphore, #tpu.memory_space<semaphore_mem>>)
    %scan3A = arith.constant 0 : i32
    %scan3A_84 = arith.constant 0 : i32
    %scan3A_85 = arith.constant 1024 : i32
    %scan3A_86 = arith.addi %scan3A_84, %scan3A_85 : i32
    %scan3A_87 = arith.constant 1 : i32
    scf.for %scan3A_112 = %scan3A_84 to %scan3A_86 step %scan3A_87  : i32 {
      %rem3A_113 = arith.constant 32 : i32
      %rem3A_114 = arith.remsi %scan3A_112, %rem3A_113 : i32
      %jit3A_115 = arith.constant 32 : i32
      %div3A_116 = arith.divsi %scan3A_112, %jit3A_115 : i32
      %sign3A_117 = arith.constant 0 : i32
      %sign3A_118 = arith.cmpi sgt, %scan3A_112, %sign3A_117 : i32
      %sign3A_119 = arith.extui %sign3A_118 : i1 to i32
      %sign3A_120 = arith.constant 0 : i32
      %sign3A_121 = arith.cmpi slt, %scan3A_112, %sign3A_120 : i32
      %sign3A_122 = arith.extui %sign3A_121 : i1 to i32
      %sign3A_123 = arith.subi %sign3A_119, %sign3A_122 : i32
      %sign3A_124 = arith.constant 0 : i32
      %sign3A_125 = arith.cmpi sgt, %jit3A_115, %sign3A_124 : i32
      %sign3A_126 = arith.extui %sign3A_125 : i1 to i32
      %sign3A_127 = arith.constant 0 : i32
      %sign3A_128 = arith.cmpi slt, %jit3A_115, %sign3A_127 : i32
      %sign3A_129 = arith.extui %sign3A_128 : i1 to i32
      %sign3A_130 = arith.subi %sign3A_126, %sign3A_129 : i32
      %ne3A_131 = arith.cmpi ne, %sign3A_123, %sign3A_130 : i32
      %rem3A_132 = arith.remsi %scan3A_112, %jit3A_115 : i32
      %ne3A_133 = arith.constant 0 : i32
      %ne3A_134 = arith.cmpi ne, %rem3A_132, %ne3A_133 : i32
      %and3A_135 = arith.andi %ne3A_131, %ne3A_134 : i1
      %sub3A_136 = arith.constant 1 : i32
      %sub3A_137 = arith.subi %div3A_116, %sub3A_136 : i32
      %select_n3A_138 = arith.select %and3A_135, %sub3A_137, %div3A_116 : i32
      %mul3A_139 = arith.constant 512 : i32
      %mul3A_140 = arith.muli %rem3A_114, %mul3A_139 : i32
      %mul3A_141 = arith.constant 16 : i32
      %mul3A_142 = arith.muli %select_n3A_138, %mul3A_141 : i32
      %add3A_143 = arith.addi %mul3A_140, %mul3A_142 : i32
      %rem3A_144 = arith.constant 4 : i32
      %rem3A_145 = arith.remsi %scan3A_112, %rem3A_144 : i32
      %mul3A_146 = arith.constant 16 : i32
      %mul3A_147 = arith.muli %rem3A_145, %mul3A_146 : i32
      %rem3A_148 = arith.constant 2 : i32
      %rem3A_149 = arith.remsi %scan3A_112, %rem3A_148 : i32
      %eq3A = arith.constant 0 : i32
      %eq3A_150 = arith.cmpi eq, %rem3A_149, %eq3A : i32
      %eq3A_151 = arith.constant 0 : i32
      %eq3A_152 = arith.cmpi eq, %rem3A_114, %eq3A_151 : i32
      %convert_element_type3A = arith.extui %eq3A_152 : i1 to i32
      %cond3A = arith.constant 0 : i32
      %cond3A_153 = arith.cmpi ne, %convert_element_type3A, %cond3A : i32
      scf.if %cond3A_153 {
        %mul3A_211 = arith.constant 16 : i32
        %mul3A_212 = arith.muli %select_n3A_138, %mul3A_211 : i32
        "tpu.region"() ({
          %run_scoped3A = tpu.sem_alloc : memref<!tpu.dma_semaphore, #tpu.memory_space<semaphore_mem>>
          %dma_start3A_213 = arith.constant 0 : i32
          %dma_start3A_214 = tpu.memref_slice %arg5[%mul3A_212, %dma_start3A_213] : memref<512x768xf32, #tpu.memory_space<hbm>> -> memref<16x768xf32, #tpu.memory_space<hbm>>
          %dma_start3A_215 = arith.constant 0 : i32
          %dma_start3A_216 = tpu.memref_slice %arg5[%mul3A_212, %dma_start3A_215] : memref<512x768xf32, #tpu.memory_space<hbm>> -> memref<16x768xf32, #tpu.memory_space<hbm>>
          tpu.enqueue_dma source(%dma_start3A_216 : memref<16x768xf32, #tpu.memory_space<hbm>>) target(%arg12 : memref<16x768xf32, #tpu.memory_space<vmem>>) target_semaphore(%run_scoped3A : memref<!tpu.dma_semaphore, #tpu.memory_space<semaphore_mem>>)
          %dma_wait3A_217 = arith.constant 0 : i32
          %dma_wait3A_218 = tpu.memref_slice %arg5[%mul3A_212, %dma_wait3A_217] : memref<512x768xf32, #tpu.memory_space<hbm>> -> memref<16x768xf32, #tpu.memory_space<hbm>>
          %dma_wait3A_219 = arith.constant 0 : i32
          %dma_wait3A_220 = tpu.memref_slice %arg5[%mul3A_212, %dma_wait3A_219] : memref<512x768xf32, #tpu.memory_space<hbm>> -> memref<16x768xf32, #tpu.memory_space<hbm>>
          tpu.wait_dma2 semaphore(%run_scoped3A : memref<!tpu.dma_semaphore, #tpu.memory_space<semaphore_mem>>) src(%dma_wait3A_220 : memref<16x768xf32, #tpu.memory_space<hbm>>) dst(%arg12 : memref<16x768xf32, #tpu.memory_space<vmem>>)
          tpu.yield
        }) : () -> ()
      } else {
      }
      %convert_element_type3A_154 = arith.extui %eq3A_150 : i1 to i32
      %cond3A_155 = arith.constant 0 : i32
      %cond3A_156 = arith.cmpi ne, %convert_element_type3A_154, %cond3A_155 : i32
      scf.if %cond3A_156 {
        %dma_wait3A_211 = arith.constant 0 : i32
        %dma_wait3A_212 = arith.constant 0 : i32
        %dma_wait3A_213 = tpu.memref_slice %arg13[%dma_wait3A_211, %dma_wait3A_212] : memref<64x768xf32, #tpu.memory_space<vmem>> -> memref<16x768xf32, #tpu.memory_space<vmem>>
        %dma_wait3A_214 = arith.constant 0 : i32
        %dma_wait3A_215 = arith.constant 0 : i32
        %dma_wait3A_216 = tpu.memref_slice %arg4[%dma_wait3A_214, %dma_wait3A_215] : memref<30522x768xf32, #tpu.memory_space<hbm>> -> memref<16x768xf32, #tpu.memory_space<hbm>>
        %dma_wait3A_217 = arith.constant 0 : i32
        %dma_wait3A_218 = arith.constant 0 : i32
        %dma_wait3A_219 = tpu.memref_slice %arg13[%dma_wait3A_217, %dma_wait3A_218] : memref<64x768xf32, #tpu.memory_space<vmem>> -> memref<16x768xf32, #tpu.memory_space<vmem>>
        %dma_wait3A_220 = arith.constant 0 : i32
        %dma_wait3A_221 = arith.constant 0 : i32
        %dma_wait3A_222 = tpu.memref_slice %arg4[%dma_wait3A_220, %dma_wait3A_221] : memref<30522x768xf32, #tpu.memory_space<hbm>> -> memref<16x768xf32, #tpu.memory_space<hbm>>
        tpu.wait_dma2 semaphore(%arg17 : memref<!tpu.dma_semaphore, #tpu.memory_space<semaphore_mem>>) src(%dma_wait3A_222 : memref<16x768xf32, #tpu.memory_space<hbm>>) dst(%dma_wait3A_219 : memref<16x768xf32, #tpu.memory_space<vmem>>)
        %ge3A = arith.constant 2 : i32
        %ge3A_223 = arith.cmpi sge, %scan3A_112, %ge3A : i32
        %convert_element_type3A_224 = arith.extui %ge3A_223 : i1 to i32
        %cond3A_225 = arith.constant 0 : i32
        %cond3A_226 = arith.cmpi ne, %convert_element_type3A_224, %cond3A_225 : i32
        scf.if %cond3A_226 {
          %dma_wait3A_233 = arith.constant 0 : i32
          %dma_wait3A_234 = arith.constant 0 : i32
          %dma_wait3A_235 = tpu.memref_slice %arg13[%dma_wait3A_233, %dma_wait3A_234] : memref<64x768xf32, #tpu.memory_space<vmem>> -> memref<16x768xf32, #tpu.memory_space<vmem>>
          %dma_wait3A_236 = arith.constant 0 : i32
          %dma_wait3A_237 = arith.constant 0 : i32
          %dma_wait3A_238 = tpu.memref_slice %arg9[%dma_wait3A_236, %dma_wait3A_237] : memref<524288x768xf32, #tpu.memory_space<hbm>> -> memref<16x768xf32, #tpu.memory_space<hbm>>
          %dma_wait3A_239 = arith.constant 0 : i32
          %dma_wait3A_240 = arith.constant 0 : i32
          %dma_wait3A_241 = tpu.memref_slice %arg9[%dma_wait3A_239, %dma_wait3A_240] : memref<524288x768xf32, #tpu.memory_space<hbm>> -> memref<16x768xf32, #tpu.memory_space<hbm>>
          %dma_wait3A_242 = arith.constant 0 : i32
          %dma_wait3A_243 = arith.constant 0 : i32
          %dma_wait3A_244 = tpu.memref_slice %arg13[%dma_wait3A_242, %dma_wait3A_243] : memref<64x768xf32, #tpu.memory_space<vmem>> -> memref<16x768xf32, #tpu.memory_space<vmem>>
          tpu.wait_dma2 semaphore(%arg19 : memref<!tpu.dma_semaphore, #tpu.memory_space<semaphore_mem>>) src(%dma_wait3A_244 : memref<16x768xf32, #tpu.memory_space<vmem>>) dst(%dma_wait3A_241 : memref<16x768xf32, #tpu.memory_space<hbm>>)
        } else {
        }
        %add3A_227 = arith.constant 2 : i32
        %add3A_228 = arith.addi %scan3A_112, %add3A_227 : i32
        %lt3A = arith.constant 1024 : i32
        %lt3A_229 = arith.cmpi slt, %add3A_228, %lt3A : i32
        %convert_element_type3A_230 = arith.extui %lt3A_229 : i1 to i32
        %cond3A_231 = arith.constant 0 : i32
        %cond3A_232 = arith.cmpi ne, %convert_element_type3A_230, %cond3A_231 : i32
        scf.if %cond3A_232 {
          %add3A_233 = arith.constant 2 : i32
          %add3A_234 = arith.addi %scan3A_112, %add3A_233 : i32
          %rem3A_235 = arith.constant 32 : i32
          %rem3A_236 = arith.remsi %add3A_234, %rem3A_235 : i32
          %jit3A_237 = arith.constant 32 : i32
          %div3A_238 = arith.divsi %add3A_234, %jit3A_237 : i32
          %sign3A_239 = arith.constant 0 : i32
          %sign3A_240 = arith.cmpi sgt, %add3A_234, %sign3A_239 : i32
          %sign3A_241 = arith.extui %sign3A_240 : i1 to i32
          %sign3A_242 = arith.constant 0 : i32
          %sign3A_243 = arith.cmpi slt, %add3A_234, %sign3A_242 : i32
          %sign3A_244 = arith.extui %sign3A_243 : i1 to i32
          %sign3A_245 = arith.subi %sign3A_241, %sign3A_244 : i32
          %sign3A_246 = arith.constant 0 : i32
          %sign3A_247 = arith.cmpi sgt, %jit3A_237, %sign3A_246 : i32
          %sign3A_248 = arith.extui %sign3A_247 : i1 to i32
          %sign3A_249 = arith.constant 0 : i32
          %sign3A_250 = arith.cmpi slt, %jit3A_237, %sign3A_249 : i32
          %sign3A_251 = arith.extui %sign3A_250 : i1 to i32
          %sign3A_252 = arith.subi %sign3A_248, %sign3A_251 : i32
          %ne3A_253 = arith.cmpi ne, %sign3A_245, %sign3A_252 : i32
          %rem3A_254 = arith.remsi %add3A_234, %jit3A_237 : i32
          %ne3A_255 = arith.constant 0 : i32
          %ne3A_256 = arith.cmpi ne, %rem3A_254, %ne3A_255 : i32
          %and3A_257 = arith.andi %ne3A_253, %ne3A_256 : i1
          %sub3A_258 = arith.constant 1 : i32
          %sub3A_259 = arith.subi %div3A_238, %sub3A_258 : i32
          %select_n3A_260 = arith.select %and3A_257, %sub3A_259, %div3A_238 : i32
          %mul3A_261 = arith.constant 512 : i32
          %mul3A_262 = arith.muli %rem3A_236, %mul3A_261 : i32
          %mul3A_263 = arith.constant 16 : i32
          %mul3A_264 = arith.muli %select_n3A_260, %mul3A_263 : i32
          %add3A_265 = arith.addi %mul3A_262, %mul3A_264 : i32
          %rem3A_266 = arith.constant 4 : i32
          %rem3A_267 = arith.remsi %add3A_234, %rem3A_266 : i32
          %mul3A_268 = arith.constant 16 : i32
          %mul3A_269 = arith.muli %rem3A_267, %mul3A_268 : i32
          %dma_start3A_270 = arith.constant 0 : i32
          %dma_start3A_271 = tpu.memref_slice %arg13[%mul3A_269, %dma_start3A_270] : memref<64x768xf32, #tpu.memory_space<vmem>> -> memref<16x768xf32, #tpu.memory_space<vmem>>
          %dma_start3A_272 = tpu.memref_slice %arg10[%add3A_265] : memref<16384xi32, #tpu.memory_space<vmem>> -> memref<16xi32, #tpu.memory_space<vmem>>
          %dma_start3A_273 = arith.constant 0 : i32
          %dma_start3A_274 = arith.constant 0 : i32
          %dma_start3A_275 = tpu.memref_slice %arg4[%dma_start3A_273, %dma_start3A_274] : memref<30522x768xf32, #tpu.memory_space<hbm>> -> memref<30522x768xf32, #tpu.memory_space<hbm>>
          tpu.enqueue_indirect_dma source(%dma_start3A_275 : memref<30522x768xf32, #tpu.memory_space<hbm>>) target(%dma_start3A_271 : memref<16x768xf32, #tpu.memory_space<vmem>>) offsets(%dma_start3A_272 : memref<16xi32, #tpu.memory_space<vmem>>) semaphore(%arg17 : memref<!tpu.dma_semaphore, #tpu.memory_space<semaphore_mem>>)
        } else {
        }
      } else {
      }
      %not3A = arith.constant true
      %not3A_157 = arith.xori %eq3A_150, %not3A : i1
      %convert_element_type3A_158 = arith.extui %not3A_157 : i1 to i32
      %cond3A_159 = arith.constant 0 : i32
      %cond3A_160 = arith.cmpi ne, %convert_element_type3A_158, %cond3A_159 : i32
      scf.if %cond3A_160 {
        %dma_wait3A_211 = arith.constant 0 : i32
        %dma_wait3A_212 = arith.constant 0 : i32
        %dma_wait3A_213 = tpu.memref_slice %arg13[%dma_wait3A_211, %dma_wait3A_212] : memref<64x768xf32, #tpu.memory_space<vmem>> -> memref<16x768xf32, #tpu.memory_space<vmem>>
        %dma_wait3A_214 = arith.constant 0 : i32
        %dma_wait3A_215 = arith.constant 0 : i32
        %dma_wait3A_216 = tpu.memref_slice %arg4[%dma_wait3A_214, %dma_wait3A_215] : memref<30522x768xf32, #tpu.memory_space<hbm>> -> memref<16x768xf32, #tpu.memory_space<hbm>>
        %dma_wait3A_217 = arith.constant 0 : i32
        %dma_wait3A_218 = arith.constant 0 : i32
        %dma_wait3A_219 = tpu.memref_slice %arg13[%dma_wait3A_217, %dma_wait3A_218] : memref<64x768xf32, #tpu.memory_space<vmem>> -> memref<16x768xf32, #tpu.memory_space<vmem>>
        %dma_wait3A_220 = arith.constant 0 : i32
        %dma_wait3A_221 = arith.constant 0 : i32
        %dma_wait3A_222 = tpu.memref_slice %arg4[%dma_wait3A_220, %dma_wait3A_221] : memref<30522x768xf32, #tpu.memory_space<hbm>> -> memref<16x768xf32, #tpu.memory_space<hbm>>
        tpu.wait_dma2 semaphore(%arg18 : memref<!tpu.dma_semaphore, #tpu.memory_space<semaphore_mem>>) src(%dma_wait3A_222 : memref<16x768xf32, #tpu.memory_space<hbm>>) dst(%dma_wait3A_219 : memref<16x768xf32, #tpu.memory_space<vmem>>)
        %ge3A = arith.constant 2 : i32
        %ge3A_223 = arith.cmpi sge, %scan3A_112, %ge3A : i32
        %convert_element_type3A_224 = arith.extui %ge3A_223 : i1 to i32
        %cond3A_225 = arith.constant 0 : i32
        %cond3A_226 = arith.cmpi ne, %convert_element_type3A_224, %cond3A_225 : i32
        scf.if %cond3A_226 {
          %dma_wait3A_233 = arith.constant 0 : i32
          %dma_wait3A_234 = arith.constant 0 : i32
          %dma_wait3A_235 = tpu.memref_slice %arg13[%dma_wait3A_233, %dma_wait3A_234] : memref<64x768xf32, #tpu.memory_space<vmem>> -> memref<16x768xf32, #tpu.memory_space<vmem>>
          %dma_wait3A_236 = arith.constant 0 : i32
          %dma_wait3A_237 = arith.constant 0 : i32
          %dma_wait3A_238 = tpu.memref_slice %arg9[%dma_wait3A_236, %dma_wait3A_237] : memref<524288x768xf32, #tpu.memory_space<hbm>> -> memref<16x768xf32, #tpu.memory_space<hbm>>
          %dma_wait3A_239 = arith.constant 0 : i32
          %dma_wait3A_240 = arith.constant 0 : i32
          %dma_wait3A_241 = tpu.memref_slice %arg9[%dma_wait3A_239, %dma_wait3A_240] : memref<524288x768xf32, #tpu.memory_space<hbm>> -> memref<16x768xf32, #tpu.memory_space<hbm>>
          %dma_wait3A_242 = arith.constant 0 : i32
          %dma_wait3A_243 = arith.constant 0 : i32
          %dma_wait3A_244 = tpu.memref_slice %arg13[%dma_wait3A_242, %dma_wait3A_243] : memref<64x768xf32, #tpu.memory_space<vmem>> -> memref<16x768xf32, #tpu.memory_space<vmem>>
          tpu.wait_dma2 semaphore(%arg20 : memref<!tpu.dma_semaphore, #tpu.memory_space<semaphore_mem>>) src(%dma_wait3A_244 : memref<16x768xf32, #tpu.memory_space<vmem>>) dst(%dma_wait3A_241 : memref<16x768xf32, #tpu.memory_space<hbm>>)
        } else {
        }
        %add3A_227 = arith.constant 2 : i32
        %add3A_228 = arith.addi %scan3A_112, %add3A_227 : i32
        %lt3A = arith.constant 1024 : i32
        %lt3A_229 = arith.cmpi slt, %add3A_228, %lt3A : i32
        %convert_element_type3A_230 = arith.extui %lt3A_229 : i1 to i32
        %cond3A_231 = arith.constant 0 : i32
        %cond3A_232 = arith.cmpi ne, %convert_element_type3A_230, %cond3A_231 : i32
        scf.if %cond3A_232 {
          %add3A_233 = arith.constant 2 : i32
          %add3A_234 = arith.addi %scan3A_112, %add3A_233 : i32
          %rem3A_235 = arith.constant 32 : i32
          %rem3A_236 = arith.remsi %add3A_234, %rem3A_235 : i32
          %jit3A_237 = arith.constant 32 : i32
          %div3A_238 = arith.divsi %add3A_234, %jit3A_237 : i32
          %sign3A_239 = arith.constant 0 : i32
          %sign3A_240 = arith.cmpi sgt, %add3A_234, %sign3A_239 : i32
          %sign3A_241 = arith.extui %sign3A_240 : i1 to i32
          %sign3A_242 = arith.constant 0 : i32
          %sign3A_243 = arith.cmpi slt, %add3A_234, %sign3A_242 : i32
          %sign3A_244 = arith.extui %sign3A_243 : i1 to i32
          %sign3A_245 = arith.subi %sign3A_241, %sign3A_244 : i32
          %sign3A_246 = arith.constant 0 : i32
          %sign3A_247 = arith.cmpi sgt, %jit3A_237, %sign3A_246 : i32
          %sign3A_248 = arith.extui %sign3A_247 : i1 to i32
          %sign3A_249 = arith.constant 0 : i32
          %sign3A_250 = arith.cmpi slt, %jit3A_237, %sign3A_249 : i32
          %sign3A_251 = arith.extui %sign3A_250 : i1 to i32
          %sign3A_252 = arith.subi %sign3A_248, %sign3A_251 : i32
          %ne3A_253 = arith.cmpi ne, %sign3A_245, %sign3A_252 : i32
          %rem3A_254 = arith.remsi %add3A_234, %jit3A_237 : i32
          %ne3A_255 = arith.constant 0 : i32
          %ne3A_256 = arith.cmpi ne, %rem3A_254, %ne3A_255 : i32
          %and3A_257 = arith.andi %ne3A_253, %ne3A_256 : i1
          %sub3A_258 = arith.constant 1 : i32
          %sub3A_259 = arith.subi %div3A_238, %sub3A_258 : i32
          %select_n3A_260 = arith.select %and3A_257, %sub3A_259, %div3A_238 : i32
          %mul3A_261 = arith.constant 512 : i32
          %mul3A_262 = arith.muli %rem3A_236, %mul3A_261 : i32
          %mul3A_263 = arith.constant 16 : i32
          %mul3A_264 = arith.muli %select_n3A_260, %mul3A_263 : i32
          %add3A_265 = arith.addi %mul3A_262, %mul3A_264 : i32
          %rem3A_266 = arith.constant 4 : i32
          %rem3A_267 = arith.remsi %add3A_234, %rem3A_266 : i32
          %mul3A_268 = arith.constant 16 : i32
          %mul3A_269 = arith.muli %rem3A_267, %mul3A_268 : i32
          %dma_start3A_270 = arith.constant 0 : i32
          %dma_start3A_271 = tpu.memref_slice %arg13[%mul3A_269, %dma_start3A_270] : memref<64x768xf32, #tpu.memory_space<vmem>> -> memref<16x768xf32, #tpu.memory_space<vmem>>
          %dma_start3A_272 = tpu.memref_slice %arg10[%add3A_265] : memref<16384xi32, #tpu.memory_space<vmem>> -> memref<16xi32, #tpu.memory_space<vmem>>
          %dma_start3A_273 = arith.constant 0 : i32
          %dma_start3A_274 = arith.constant 0 : i32
          %dma_start3A_275 = tpu.memref_slice %arg4[%dma_start3A_273, %dma_start3A_274] : memref<30522x768xf32, #tpu.memory_space<hbm>> -> memref<30522x768xf32, #tpu.memory_space<hbm>>
          tpu.enqueue_indirect_dma source(%dma_start3A_275 : memref<30522x768xf32, #tpu.memory_space<hbm>>) target(%dma_start3A_271 : memref<16x768xf32, #tpu.memory_space<vmem>>) offsets(%dma_start3A_272 : memref<16xi32, #tpu.memory_space<vmem>>) semaphore(%arg18 : memref<!tpu.dma_semaphore, #tpu.memory_space<semaphore_mem>>)
        } else {
        }
      } else {
      }
      %jit3A_161 = arith.constant 16 : i32
      %div3A_162 = arith.divsi %scan3A_112, %jit3A_161 : i32
      %sign3A_163 = arith.constant 0 : i32
      %sign3A_164 = arith.cmpi sgt, %scan3A_112, %sign3A_163 : i32
      %sign3A_165 = arith.extui %sign3A_164 : i1 to i32
      %sign3A_166 = arith.constant 0 : i32
      %sign3A_167 = arith.cmpi slt, %scan3A_112, %sign3A_166 : i32
      %sign3A_168 = arith.extui %sign3A_167 : i1 to i32
      %sign3A_169 = arith.subi %sign3A_165, %sign3A_168 : i32
      %sign3A_170 = arith.constant 0 : i32
      %sign3A_171 = arith.cmpi sgt, %jit3A_161, %sign3A_170 : i32
      %sign3A_172 = arith.extui %sign3A_171 : i1 to i32
      %sign3A_173 = arith.constant 0 : i32
      %sign3A_174 = arith.cmpi slt, %jit3A_161, %sign3A_173 : i32
      %sign3A_175 = arith.extui %sign3A_174 : i1 to i32
      %sign3A_176 = arith.subi %sign3A_172, %sign3A_175 : i32
      %ne3A_177 = arith.cmpi ne, %sign3A_169, %sign3A_176 : i32
      %rem3A_178 = arith.remsi %scan3A_112, %jit3A_161 : i32
      %ne3A_179 = arith.constant 0 : i32
      %ne3A_180 = arith.cmpi ne, %rem3A_178, %ne3A_179 : i32
      %and3A_181 = arith.andi %ne3A_177, %ne3A_180 : i1
      %sub3A_182 = arith.constant 1 : i32
      %sub3A_183 = arith.subi %div3A_162, %sub3A_182 : i32
      %select_n3A_184 = arith.select %and3A_181, %sub3A_183, %div3A_162 : i32
      %mul3A_185 = arith.constant 16 : i32
      %mul3A_186 = arith.muli %select_n3A_184, %mul3A_185 : i32
      %get3A = arith.index_cast %mul3A_186 : i32 to index
      %get3A_187 = tpu.vector_load %arg11[%get3A] {strides = array<i32>} : memref<1024xi32, #tpu.memory_space<vmem>>, vector<16xi32>,
      %get3A_188 = vector.shape_cast %get3A_187 : vector<16xi32> to vector<16xi32>
      %rem3A_189 = arith.constant 16 : i32
      %rem3A_190 = arith.remsi %scan3A_112, %rem3A_189 : i32
      %broadcast_in_dim3A = vector.broadcast %rem3A_190 : i32 to vector<16xi32>
      %reshape3A = vector.shape_cast %broadcast_in_dim3A : vector<16xi32> to vector<16x1xi32>
      %gather3A = vector.shape_cast %reshape3A : vector<16x1xi32> to vector<16xi32>
      %gather3A_191 = tpu.dynamic_gather %get3A_188[%gather3A] in [0] : vector<16xi32>, vector<16xi32> -> vector<16xi32>
      %shift_right_logical3A = arith.shrui %gather3A_191, %iota3A : vector<16xi32>
      %and3A_192 = arith.constant 1 : i32
      %and3A_193 = vector.broadcast %and3A_192 : i32 to vector<16xi32>
      %and3A_194 = arith.andi %shift_right_logical3A, %and3A_193 : vector<16xi32>
      %convert_element_type3A_195 = arith.sitofp %and3A_194 : vector<16xi32> to vector<16xf32>
      %scan3A_196 = arith.constant 0 : i32
      %scan3A_197 = arith.constant 0 : i32
      %scan3A_198 = arith.constant 16 : i32
      %scan3A_199 = arith.addi %scan3A_197, %scan3A_198 : i32
      %scan3A_200 = arith.constant 1 : i32
      scf.for %scan3A_211 = %scan3A_197 to %scan3A_199 step %scan3A_200  : i32 {
        %add3A_212 = arith.addi %mul3A_147, %scan3A_211 : i32
        %broadcast_in_dim3A_213 = vector.broadcast %scan3A_211 : i32 to vector<16xi32>
        %reshape3A_214 = vector.shape_cast %broadcast_in_dim3A_213 : vector<16xi32> to vector<16x1xi32>
        %gather3A_215 = vector.shape_cast %reshape3A_214 : vector<16x1xi32> to vector<16xi32>
        %gather3A_216 = tpu.dynamic_gather %convert_element_type3A_195[%gather3A_215] in [0] : vector<16xf32>, vector<16xi32> -> vector<16xf32>
        %broadcast_in_dim3A_217 = arith.constant 0.000000e+00 : f32
        %broadcast_in_dim3A_218 = vector.broadcast %broadcast_in_dim3A_217 : f32 to vector<16xf32>
        %parallel_loop3A = arith.constant 0 : i32
        %parallel_loop3A_219 = arith.constant 12 : i32
        %parallel_loop3A_220 = arith.constant 1 : i32
        %parallel_loop3A_221:8 = scf.for %parallel_loop3A_321 = %parallel_loop3A to %parallel_loop3A_219 step %parallel_loop3A_220 iter_args(%parallel_loop3A_322 = %broadcast_in_dim3A_218, %parallel_loop3A_323 = %broadcast_in_dim3A_218, %parallel_loop3A_324 = %broadcast_in_dim3A_218, %parallel_loop3A_325 = %broadcast_in_dim3A_218, %parallel_loop3A_326 = %broadcast_in_dim3A_218, %parallel_loop3A_327 = %broadcast_in_dim3A_218, %parallel_loop3A_328 = %broadcast_in_dim3A_218, %parallel_loop3A_329 = %broadcast_in_dim3A_218) -> (vector<16xf32>, vector<16xf32>, vector<16xf32>, vector<16xf32>, vector<16xf32>, vector<16xf32>, vector<16xf32>, vector<16xf32>)  : i32 {
          %parallel_loop3A_330 = arith.constant 4 : i32
          %parallel_loop3A_331 = arith.muli %parallel_loop3A_321, %parallel_loop3A_330 : i32
          %parallel_loop3A_332 = arith.constant 0 : i32
          %parallel_loop3A_333 = arith.addi %parallel_loop3A_331, %parallel_loop3A_332 : i32
          %parallel_loop3A_334 = arith.constant 16 : i32
          %parallel_loop3A_335 = arith.muli %parallel_loop3A_333, %parallel_loop3A_334 : i32
          %parallel_loop3A_336 = arith.index_cast %add3A_212 : i32 to index
          %parallel_loop3A_337 = arith.index_cast %parallel_loop3A_335 : i32 to index
          %parallel_loop3A_338 = tpu.vector_load %arg13[%parallel_loop3A_336, %parallel_loop3A_337] {strides = array<i32>} : memref<64x768xf32, #tpu.memory_space<vmem>>, vector<1x16xf32>,
          %parallel_loop3A_339 = vector.shape_cast %parallel_loop3A_338 : vector<1x16xf32> to vector<16xf32>
          %parallel_loop3A_340 = arith.index_cast %scan3A_211 : i32 to index
          %parallel_loop3A_341 = arith.index_cast %parallel_loop3A_335 : i32 to index
          %parallel_loop3A_342 = tpu.vector_load %arg12[%parallel_loop3A_340, %parallel_loop3A_341] {strides = array<i32>} : memref<16x768xf32, #tpu.memory_space<vmem>>, vector<1x16xf32>,
          %parallel_loop3A_343 = vector.shape_cast %parallel_loop3A_342 : vector<1x16xf32> to vector<16xf32>
          %parallel_loop3A_344 = arith.addf %parallel_loop3A_339, %parallel_loop3A_343 : vector<16xf32>
          %parallel_loop3A_345 = arith.index_cast %parallel_loop3A_335 : i32 to index
          %parallel_loop3A_346 = tpu.vector_load %arg16[%parallel_loop3A_345] {strides = array<i32>} : memref<768xf32, #tpu.memory_space<vmem>>, vector<16xf32>,
          %parallel_loop3A_347 = vector.shape_cast %parallel_loop3A_346 : vector<16xf32> to vector<16xf32>
          %parallel_loop3A_348 = arith.mulf %gather3A_216, %parallel_loop3A_347 : vector<16xf32>
          %parallel_loop3A_349 = arith.addf %parallel_loop3A_344, %parallel_loop3A_348 : vector<16xf32>
          %parallel_loop3A_350 = arith.index_cast %add3A_212 : i32 to index
          %parallel_loop3A_351 = arith.index_cast %parallel_loop3A_335 : i32 to index
          %parallel_loop3A_352 = tpu.vector_load %arg13[%parallel_loop3A_350, %parallel_loop3A_351] {strides = array<i32>} : memref<64x768xf32, #tpu.memory_space<vmem>>, vector<1x16xf32>,
          %parallel_loop3A_353 = vector.shape_cast %parallel_loop3A_352 : vector<1x16xf32> to vector<16xf32>
          %parallel_loop3A_354 = vector.shape_cast %parallel_loop3A_349 : vector<16xf32> to vector<1x16xf32>
          tpu.vector_store %arg13[%parallel_loop3A_350, %parallel_loop3A_351], %parallel_loop3A_354 {strides = array<i32>} : memref<64x768xf32, #tpu.memory_space<vmem>>, vector<1x16xf32>,
          %parallel_loop3A_355 = arith.addf %parallel_loop3A_322, %parallel_loop3A_349 : vector<16xf32>
          %parallel_loop3A_356 = arith.mulf %parallel_loop3A_349, %parallel_loop3A_349 : vector<16xf32>
          %parallel_loop3A_357 = arith.addf %parallel_loop3A_326, %parallel_loop3A_356 : vector<16xf32>
          %parallel_loop3A_358 = arith.constant 4 : i32
          %parallel_loop3A_359 = arith.muli %parallel_loop3A_321, %parallel_loop3A_358 : i32
          %parallel_loop3A_360 = arith.constant 1 : i32
          %parallel_loop3A_361 = arith.addi %parallel_loop3A_359, %parallel_loop3A_360 : i32
          %parallel_loop3A_362 = arith.constant 16 : i32
          %parallel_loop3A_363 = arith.muli %parallel_loop3A_361, %parallel_loop3A_362 : i32
          %parallel_loop3A_364 = arith.index_cast %add3A_212 : i32 to index
          %parallel_loop3A_365 = arith.index_cast %parallel_loop3A_363 : i32 to index
          %parallel_loop3A_366 = tpu.vector_load %arg13[%parallel_loop3A_364, %parallel_loop3A_365] {strides = array<i32>} : memref<64x768xf32, #tpu.memory_space<vmem>>, vector<1x16xf32>,
          %parallel_loop3A_367 = vector.shape_cast %parallel_loop3A_366 : vector<1x16xf32> to vector<16xf32>
          %parallel_loop3A_368 = arith.index_cast %scan3A_211 : i32 to index
          %parallel_loop3A_369 = arith.index_cast %parallel_loop3A_363 : i32 to index
          %parallel_loop3A_370 = tpu.vector_load %arg12[%parallel_loop3A_368, %parallel_loop3A_369] {strides = array<i32>} : memref<16x768xf32, #tpu.memory_space<vmem>>, vector<1x16xf32>,
          %parallel_loop3A_371 = vector.shape_cast %parallel_loop3A_370 : vector<1x16xf32> to vector<16xf32>
          %parallel_loop3A_372 = arith.addf %parallel_loop3A_367, %parallel_loop3A_371 : vector<16xf32>
          %parallel_loop3A_373 = arith.index_cast %parallel_loop3A_363 : i32 to index
          %parallel_loop3A_374 = tpu.vector_load %arg16[%parallel_loop3A_373] {strides = array<i32>} : memref<768xf32, #tpu.memory_space<vmem>>, vector<16xf32>,
          %parallel_loop3A_375 = vector.shape_cast %parallel_loop3A_374 : vector<16xf32> to vector<16xf32>
          %parallel_loop3A_376 = arith.mulf %gather3A_216, %parallel_loop3A_375 : vector<16xf32>
          %parallel_loop3A_377 = arith.addf %parallel_loop3A_372, %parallel_loop3A_376 : vector<16xf32>
          %parallel_loop3A_378 = arith.index_cast %add3A_212 : i32 to index
          %parallel_loop3A_379 = arith.index_cast %parallel_loop3A_363 : i32 to index
          %parallel_loop3A_380 = tpu.vector_load %arg13[%parallel_loop3A_378, %parallel_loop3A_379] {strides = array<i32>} : memref<64x768xf32, #tpu.memory_space<vmem>>, vector<1x16xf32>,
          %parallel_loop3A_381 = vector.shape_cast %parallel_loop3A_380 : vector<1x16xf32> to vector<16xf32>
          %parallel_loop3A_382 = vector.shape_cast %parallel_loop3A_377 : vector<16xf32> to vector<1x16xf32>
          tpu.vector_store %arg13[%parallel_loop3A_378, %parallel_loop3A_379], %parallel_loop3A_382 {strides = array<i32>} : memref<64x768xf32, #tpu.memory_space<vmem>>, vector<1x16xf32>,
          %parallel_loop3A_383 = arith.addf %parallel_loop3A_323, %parallel_loop3A_377 : vector<16xf32>
          %parallel_loop3A_384 = arith.mulf %parallel_loop3A_377, %parallel_loop3A_377 : vector<16xf32>
          %parallel_loop3A_385 = arith.addf %parallel_loop3A_327, %parallel_loop3A_384 : vector<16xf32>
          %parallel_loop3A_386 = arith.constant 4 : i32
          %parallel_loop3A_387 = arith.muli %parallel_loop3A_321, %parallel_loop3A_386 : i32
          %parallel_loop3A_388 = arith.constant 2 : i32
          %parallel_loop3A_389 = arith.addi %parallel_loop3A_387, %parallel_loop3A_388 : i32
          %parallel_loop3A_390 = arith.constant 16 : i32
          %parallel_loop3A_391 = arith.muli %parallel_loop3A_389, %parallel_loop3A_390 : i32
          %parallel_loop3A_392 = arith.index_cast %add3A_212 : i32 to index
          %parallel_loop3A_393 = arith.index_cast %parallel_loop3A_391 : i32 to index
          %parallel_loop3A_394 = tpu.vector_load %arg13[%parallel_loop3A_392, %parallel_loop3A_393] {strides = array<i32>} : memref<64x768xf32, #tpu.memory_space<vmem>>, vector<1x16xf32>,
          %parallel_loop3A_395 = vector.shape_cast %parallel_loop3A_394 : vector<1x16xf32> to vector<16xf32>
          %parallel_loop3A_396 = arith.index_cast %scan3A_211 : i32 to index
          %parallel_loop3A_397 = arith.index_cast %parallel_loop3A_391 : i32 to index
          %parallel_loop3A_398 = tpu.vector_load %arg12[%parallel_loop3A_396, %parallel_loop3A_397] {strides = array<i32>} : memref<16x768xf32, #tpu.memory_space<vmem>>, vector<1x16xf32>,
          %parallel_loop3A_399 = vector.shape_cast %parallel_loop3A_398 : vector<1x16xf32> to vector<16xf32>
          %parallel_loop3A_400 = arith.addf %parallel_loop3A_395, %parallel_loop3A_399 : vector<16xf32>
          %parallel_loop3A_401 = arith.index_cast %parallel_loop3A_391 : i32 to index
          %parallel_loop3A_402 = tpu.vector_load %arg16[%parallel_loop3A_401] {strides = array<i32>} : memref<768xf32, #tpu.memory_space<vmem>>, vector<16xf32>,
          %parallel_loop3A_403 = vector.shape_cast %parallel_loop3A_402 : vector<16xf32> to vector<16xf32>
          %parallel_loop3A_404 = arith.mulf %gather3A_216, %parallel_loop3A_403 : vector<16xf32>
          %parallel_loop3A_405 = arith.addf %parallel_loop3A_400, %parallel_loop3A_404 : vector<16xf32>
          %parallel_loop3A_406 = arith.index_cast %add3A_212 : i32 to index
          %parallel_loop3A_407 = arith.index_cast %parallel_loop3A_391 : i32 to index
          %parallel_loop3A_408 = tpu.vector_load %arg13[%parallel_loop3A_406, %parallel_loop3A_407] {strides = array<i32>} : memref<64x768xf32, #tpu.memory_space<vmem>>, vector<1x16xf32>,
          %parallel_loop3A_409 = vector.shape_cast %parallel_loop3A_408 : vector<1x16xf32> to vector<16xf32>
          %parallel_loop3A_410 = vector.shape_cast %parallel_loop3A_405 : vector<16xf32> to vector<1x16xf32>
          tpu.vector_store %arg13[%parallel_loop3A_406, %parallel_loop3A_407], %parallel_loop3A_410 {strides = array<i32>} : memref<64x768xf32, #tpu.memory_space<vmem>>, vector<1x16xf32>,
          %parallel_loop3A_411 = arith.addf %parallel_loop3A_324, %parallel_loop3A_405 : vector<16xf32>
          %parallel_loop3A_412 = arith.mulf %parallel_loop3A_405, %parallel_loop3A_405 : vector<16xf32>
          %parallel_loop3A_413 = arith.addf %parallel_loop3A_328, %parallel_loop3A_412 : vector<16xf32>
          %parallel_loop3A_414 = arith.constant 4 : i32
          %parallel_loop3A_415 = arith.muli %parallel_loop3A_321, %parallel_loop3A_414 : i32
          %parallel_loop3A_416 = arith.constant 3 : i32
          %parallel_loop3A_417 = arith.addi %parallel_loop3A_415, %parallel_loop3A_416 : i32
          %parallel_loop3A_418 = arith.constant 16 : i32
          %parallel_loop3A_419 = arith.muli %parallel_loop3A_417, %parallel_loop3A_418 : i32
          %parallel_loop3A_420 = arith.index_cast %add3A_212 : i32 to index
          %parallel_loop3A_421 = arith.index_cast %parallel_loop3A_419 : i32 to index
          %parallel_loop3A_422 = tpu.vector_load %arg13[%parallel_loop3A_420, %parallel_loop3A_421] {strides = array<i32>} : memref<64x768xf32, #tpu.memory_space<vmem>>, vector<1x16xf32>,
          %parallel_loop3A_423 = vector.shape_cast %parallel_loop3A_422 : vector<1x16xf32> to vector<16xf32>
          %parallel_loop3A_424 = arith.index_cast %scan3A_211 : i32 to index
          %parallel_loop3A_425 = arith.index_cast %parallel_loop3A_419 : i32 to index
          %parallel_loop3A_426 = tpu.vector_load %arg12[%parallel_loop3A_424, %parallel_loop3A_425] {strides = array<i32>} : memref<16x768xf32, #tpu.memory_space<vmem>>, vector<1x16xf32>,
          %parallel_loop3A_427 = vector.shape_cast %parallel_loop3A_426 : vector<1x16xf32> to vector<16xf32>
          %parallel_loop3A_428 = arith.addf %parallel_loop3A_423, %parallel_loop3A_427 : vector<16xf32>
          %parallel_loop3A_429 = arith.index_cast %parallel_loop3A_419 : i32 to index
          %parallel_loop3A_430 = tpu.vector_load %arg16[%parallel_loop3A_429] {strides = array<i32>} : memref<768xf32, #tpu.memory_space<vmem>>, vector<16xf32>,
          %parallel_loop3A_431 = vector.shape_cast %parallel_loop3A_430 : vector<16xf32> to vector<16xf32>
          %parallel_loop3A_432 = arith.mulf %gather3A_216, %parallel_loop3A_431 : vector<16xf32>
          %parallel_loop3A_433 = arith.addf %parallel_loop3A_428, %parallel_loop3A_432 : vector<16xf32>
          %parallel_loop3A_434 = arith.index_cast %add3A_212 : i32 to index
          %parallel_loop3A_435 = arith.index_cast %parallel_loop3A_419 : i32 to index
          %parallel_loop3A_436 = tpu.vector_load %arg13[%parallel_loop3A_434, %parallel_loop3A_435] {strides = array<i32>} : memref<64x768xf32, #tpu.memory_space<vmem>>, vector<1x16xf32>,
          %parallel_loop3A_437 = vector.shape_cast %parallel_loop3A_436 : vector<1x16xf32> to vector<16xf32>
          %parallel_loop3A_438 = vector.shape_cast %parallel_loop3A_433 : vector<16xf32> to vector<1x16xf32>
          tpu.vector_store %arg13[%parallel_loop3A_434, %parallel_loop3A_435], %parallel_loop3A_438 {strides = array<i32>} : memref<64x768xf32, #tpu.memory_space<vmem>>, vector<1x16xf32>,
          %parallel_loop3A_439 = arith.addf %parallel_loop3A_325, %parallel_loop3A_433 : vector<16xf32>
          %parallel_loop3A_440 = arith.mulf %parallel_loop3A_433, %parallel_loop3A_433 : vector<16xf32>
          %parallel_loop3A_441 = arith.addf %parallel_loop3A_329, %parallel_loop3A_440 : vector<16xf32>
          scf.yield %parallel_loop3A_355, %parallel_loop3A_383, %parallel_loop3A_411, %parallel_loop3A_439, %parallel_loop3A_357, %parallel_loop3A_385, %parallel_loop3A_413, %parallel_loop3A_441 : vector<16xf32>, vector<16xf32>, vector<16xf32>, vector<16xf32>, vector<16xf32>, vector<16xf32>, vector<16xf32>, vector<16xf32>
        } {sc.loop_unroll_factor = 4 : i64, sc.parallel_access}
        %add3A_222 = arith.addf %parallel_loop3A_221#0, %parallel_loop3A_221#1 : vector<16xf32>
        %add3A_223 = arith.addf %parallel_loop3A_221#2, %parallel_loop3A_221#3 : vector<16xf32>
        %add3A_224 = arith.addf %add3A_222, %add3A_223 : vector<16xf32>
        %add3A_225 = arith.addf %parallel_loop3A_221#4, %parallel_loop3A_221#5 : vector<16xf32>
        %add3A_226 = arith.addf %parallel_loop3A_221#6, %parallel_loop3A_221#7 : vector<16xf32>
        %add3A_227 = arith.addf %add3A_225, %add3A_226 : vector<16xf32>
        %iota3A_228 = tpu.iota {dimensions = array<i32: 0>} : vector<16xi32>
        %xor3A = arith.constant 8 : i32
        %xor3A_229 = vector.broadcast %xor3A : i32 to vector<16xi32>
        %xor3A_230 = arith.xori %iota3A_228, %xor3A_229 : vector<16xi32>
        %reshape3A_231 = vector.shape_cast %xor3A_230 : vector<16xi32> to vector<16x1xi32>
        %gather3A_232 = vector.shape_cast %reshape3A_231 : vector<16x1xi32> to vector<16xi32>
        %gather3A_233 = tpu.dynamic_gather %add3A_224[%gather3A_232] in [0] : vector<16xf32>, vector<16xi32> -> vector<16xf32>
        %add3A_234 = arith.addf %add3A_224, %gather3A_233 : vector<16xf32>
        %xor3A_235 = arith.constant 4 : i32
        %xor3A_236 = vector.broadcast %xor3A_235 : i32 to vector<16xi32>
        %xor3A_237 = arith.xori %iota3A_228, %xor3A_236 : vector<16xi32>
        %reshape3A_238 = vector.shape_cast %xor3A_237 : vector<16xi32> to vector<16x1xi32>
        %gather3A_239 = vector.shape_cast %reshape3A_238 : vector<16x1xi32> to vector<16xi32>
        %gather3A_240 = tpu.dynamic_gather %add3A_234[%gather3A_239] in [0] : vector<16xf32>, vector<16xi32> -> vector<16xf32>
        %add3A_241 = arith.addf %add3A_234, %gather3A_240 : vector<16xf32>
        %xor3A_242 = arith.constant 2 : i32
        %xor3A_243 = vector.broadcast %xor3A_242 : i32 to vector<16xi32>
        %xor3A_244 = arith.xori %iota3A_228, %xor3A_243 : vector<16xi32>
        %reshape3A_245 = vector.shape_cast %xor3A_244 : vector<16xi32> to vector<16x1xi32>
        %gather3A_246 = vector.shape_cast %reshape3A_245 : vector<16x1xi32> to vector<16xi32>
        %gather3A_247 = tpu.dynamic_gather %add3A_241[%gather3A_246] in [0] : vector<16xf32>, vector<16xi32> -> vector<16xf32>
        %add3A_248 = arith.addf %add3A_241, %gather3A_247 : vector<16xf32>
        %xor3A_249 = arith.constant 1 : i32
        %xor3A_250 = vector.broadcast %xor3A_249 : i32 to vector<16xi32>
        %xor3A_251 = arith.xori %iota3A_228, %xor3A_250 : vector<16xi32>
        %reshape3A_252 = vector.shape_cast %xor3A_251 : vector<16xi32> to vector<16x1xi32>
        %gather3A_253 = vector.shape_cast %reshape3A_252 : vector<16x1xi32> to vector<16xi32>
        %gather3A_254 = tpu.dynamic_gather %add3A_248[%gather3A_253] in [0] : vector<16xf32>, vector<16xi32> -> vector<16xf32>
        %add3A_255 = arith.addf %add3A_248, %gather3A_254 : vector<16xf32>
        %mul3A_256 = arith.constant 0.00130208337 : f32
        %mul3A_257 = vector.broadcast %mul3A_256 : f32 to vector<16xf32>
        %mul3A_258 = arith.mulf %add3A_255, %mul3A_257 : vector<16xf32>
        %iota3A_259 = tpu.iota {dimensions = array<i32: 0>} : vector<16xi32>
        %xor3A_260 = arith.constant 8 : i32
        %xor3A_261 = vector.broadcast %xor3A_260 : i32 to vector<16xi32>
        %xor3A_262 = arith.xori %iota3A_259, %xor3A_261 : vector<16xi32>
        %reshape3A_263 = vector.shape_cast %xor3A_262 : vector<16xi32> to vector<16x1xi32>
        %gather3A_264 = vector.shape_cast %reshape3A_263 : vector<16x1xi32> to vector<16xi32>
        %gather3A_265 = tpu.dynamic_gather %add3A_227[%gather3A_264] in [0] : vector<16xf32>, vector<16xi32> -> vector<16xf32>
        %add3A_266 = arith.addf %add3A_227, %gather3A_265 : vector<16xf32>
        %xor3A_267 = arith.constant 4 : i32
        %xor3A_268 = vector.broadcast %xor3A_267 : i32 to vector<16xi32>
        %xor3A_269 = arith.xori %iota3A_259, %xor3A_268 : vector<16xi32>
        %reshape3A_270 = vector.shape_cast %xor3A_269 : vector<16xi32> to vector<16x1xi32>
        %gather3A_271 = vector.shape_cast %reshape3A_270 : vector<16x1xi32> to vector<16xi32>
        %gather3A_272 = tpu.dynamic_gather %add3A_266[%gather3A_271] in [0] : vector<16xf32>, vector<16xi32> -> vector<16xf32>
        %add3A_273 = arith.addf %add3A_266, %gather3A_272 : vector<16xf32>
        %xor3A_274 = arith.constant 2 : i32
        %xor3A_275 = vector.broadcast %xor3A_274 : i32 to vector<16xi32>
        %xor3A_276 = arith.xori %iota3A_259, %xor3A_275 : vector<16xi32>
        %reshape3A_277 = vector.shape_cast %xor3A_276 : vector<16xi32> to vector<16x1xi32>
        %gather3A_278 = vector.shape_cast %reshape3A_277 : vector<16x1xi32> to vector<16xi32>
        %gather3A_279 = tpu.dynamic_gather %add3A_273[%gather3A_278] in [0] : vector<16xf32>, vector<16xi32> -> vector<16xf32>
        %add3A_280 = arith.addf %add3A_273, %gather3A_279 : vector<16xf32>
        %xor3A_281 = arith.constant 1 : i32
        %xor3A_282 = vector.broadcast %xor3A_281 : i32 to vector<16xi32>
        %xor3A_283 = arith.xori %iota3A_259, %xor3A_282 : vector<16xi32>
        %reshape3A_284 = vector.shape_cast %xor3A_283 : vector<16xi32> to vector<16x1xi32>
        %gather3A_285 = vector.shape_cast %reshape3A_284 : vector<16x1xi32> to vector<16xi32>
        %gather3A_286 = tpu.dynamic_gather %add3A_280[%gather3A_285] in [0] : vector<16xf32>, vector<16xi32> -> vector<16xf32>
        %add3A_287 = arith.addf %add3A_280, %gather3A_286 : vector<16xf32>
        %mul3A_288 = arith.constant 0.00130208337 : f32
        %mul3A_289 = vector.broadcast %mul3A_288 : f32 to vector<16xf32>
        %mul3A_290 = arith.mulf %add3A_287, %mul3A_289 : vector<16xf32>
        %mul3A_291 = arith.mulf %mul3A_258, %mul3A_258 : vector<16xf32>
        %sub3A_292 = arith.subf %mul3A_290, %mul3A_291 : vector<16xf32>
        %add3A_293 = arith.constant 9.99999996E-13 : f32
        %add3A_294 = vector.broadcast %add3A_293 : f32 to vector<16xf32>
        %add3A_295 = arith.addf %sub3A_292, %add3A_294 : vector<16xf32>
        %bitcast_convert_type3A = tpu.bitcast %add3A_295 : vector<16xf32> -> vector<16xi32>
        %broadcast_in_dim3A_296 = arith.constant 1 : i32
        %broadcast_in_dim3A_297 = vector.broadcast %broadcast_in_dim3A_296 : i32 to vector<16xi32>
        %shift_right_logical3A_298 = arith.shrui %bitcast_convert_type3A, %broadcast_in_dim3A_297 : vector<16xi32>
        %sub3A_299 = arith.constant 1597463007 : i32
        %sub3A_300 = vector.broadcast %sub3A_299 : i32 to vector<16xi32>
        %sub3A_301 = arith.subi %sub3A_300, %shift_right_logical3A_298 : vector<16xi32>
        %bitcast_convert_type3A_302 = tpu.bitcast %sub3A_301 : vector<16xi32> -> vector<16xf32>
        %mul3A_303 = arith.constant 5.000000e-01 : f32
        %mul3A_304 = vector.broadcast %mul3A_303 : f32 to vector<16xf32>
        %mul3A_305 = arith.mulf %add3A_295, %mul3A_304 : vector<16xf32>
        %mul3A_306 = arith.mulf %mul3A_305, %bitcast_convert_type3A_302 : vector<16xf32>
        %mul3A_307 = arith.mulf %mul3A_306, %bitcast_convert_type3A_302 : vector<16xf32>
        %sub3A_308 = arith.constant 1.500000e+00 : f32
        %sub3A_309 = vector.broadcast %sub3A_308 : f32 to vector<16xf32>
        %sub3A_310 = arith.subf %sub3A_309, %mul3A_307 : vector<16xf32>
        %mul3A_311 = arith.mulf %bitcast_convert_type3A_302, %sub3A_310 : vector<16xf32>
        %mul3A_312 = arith.mulf %mul3A_305, %mul3A_311 : vector<16xf32>
        %mul3A_313 = arith.mulf %mul3A_312, %mul3A_311 : vector<16xf32>
        %sub3A_314 = arith.constant 1.500000e+00 : f32
        %sub3A_315 = vector.broadcast %sub3A_314 : f32 to vector<16xf32>
        %sub3A_316 = arith.subf %sub3A_315, %mul3A_313 : vector<16xf32>
        %mul3A_317 = arith.mulf %mul3A_311, %sub3A_316 : vector<16xf32>
        %parallel_loop3A_318 = arith.constant 0 : i32
        %parallel_loop3A_319 = arith.constant 48 : i32
        %parallel_loop3A_320 = arith.constant 1 : i32
        scf.for %parallel_loop3A_321 = %parallel_loop3A_318 to %parallel_loop3A_319 step %parallel_loop3A_320  : i32 {
          %parallel_loop3A_322 = arith.constant 16 : i32
          %parallel_loop3A_323 = arith.muli %parallel_loop3A_321, %parallel_loop3A_322 : i32
          %parallel_loop3A_324 = arith.index_cast %add3A_212 : i32 to index
          %parallel_loop3A_325 = arith.index_cast %parallel_loop3A_323 : i32 to index
          %parallel_loop3A_326 = tpu.vector_load %arg13[%parallel_loop3A_324, %parallel_loop3A_325] {strides = array<i32>} : memref<64x768xf32, #tpu.memory_space<vmem>>, vector<1x16xf32>,
          %parallel_loop3A_327 = vector.shape_cast %parallel_loop3A_326 : vector<1x16xf32> to vector<16xf32>
          %parallel_loop3A_328 = arith.subf %parallel_loop3A_327, %mul3A_258 : vector<16xf32>
          %parallel_loop3A_329 = arith.mulf %parallel_loop3A_328, %mul3A_317 : vector<16xf32>
          %parallel_loop3A_330 = arith.index_cast %parallel_loop3A_323 : i32 to index
          %parallel_loop3A_331 = tpu.vector_load %arg14[%parallel_loop3A_330] {strides = array<i32>} : memref<768xf32, #tpu.memory_space<vmem>>, vector<16xf32>,
          %parallel_loop3A_332 = vector.shape_cast %parallel_loop3A_331 : vector<16xf32> to vector<16xf32>
          %parallel_loop3A_333 = arith.mulf %parallel_loop3A_329, %parallel_loop3A_332 : vector<16xf32>
          %parallel_loop3A_334 = arith.index_cast %parallel_loop3A_323 : i32 to index
          %parallel_loop3A_335 = tpu.vector_load %arg15[%parallel_loop3A_334] {strides = array<i32>} : memref<768xf32, #tpu.memory_space<vmem>>, vector<16xf32>,
          %parallel_loop3A_336 = vector.shape_cast %parallel_loop3A_335 : vector<16xf32> to vector<16xf32>
          %parallel_loop3A_337 = arith.addf %parallel_loop3A_333, %parallel_loop3A_336 : vector<16xf32>
          %parallel_loop3A_338 = arith.index_cast %add3A_212 : i32 to index
          %parallel_loop3A_339 = arith.index_cast %parallel_loop3A_323 : i32 to index
          %parallel_loop3A_340 = tpu.vector_load %arg13[%parallel_loop3A_338, %parallel_loop3A_339] {strides = array<i32>} : memref<64x768xf32, #tpu.memory_space<vmem>>, vector<1x16xf32>,
          %parallel_loop3A_341 = vector.shape_cast %parallel_loop3A_340 : vector<1x16xf32> to vector<16xf32>
          %parallel_loop3A_342 = vector.shape_cast %parallel_loop3A_337 : vector<16xf32> to vector<1x16xf32>
          tpu.vector_store %arg13[%parallel_loop3A_338, %parallel_loop3A_339], %parallel_loop3A_342 {strides = array<i32>} : memref<64x768xf32, #tpu.memory_space<vmem>>, vector<1x16xf32>,
        } {sc.loop_unroll_factor = 8 : i64, sc.parallel_access}
      }
      %scan3A_201 = arith.constant 16 : i32
      %add3A_202 = arith.addi %mul3A_2, %add3A_143 : i32
      %convert_element_type3A_203 = arith.extui %eq3A_150 : i1 to i32
      %cond3A_204 = arith.constant 0 : i32
      %cond3A_205 = arith.cmpi ne, %convert_element_type3A_203, %cond3A_204 : i32
      scf.if %cond3A_205 {
        %dma_start3A_211 = arith.constant 0 : i32
        %dma_start3A_212 = tpu.memref_slice %arg13[%mul3A_147, %dma_start3A_211] : memref<64x768xf32, #tpu.memory_space<vmem>> -> memref<16x768xf32, #tpu.memory_space<vmem>>
        %dma_start3A_213 = arith.constant 0 : i32
        %dma_start3A_214 = tpu.memref_slice %arg9[%add3A_202, %dma_start3A_213] : memref<524288x768xf32, #tpu.memory_space<hbm>> -> memref<16x768xf32, #tpu.memory_space<hbm>>
        %dma_start3A_215 = arith.constant 0 : i32
        %dma_start3A_216 = tpu.memref_slice %arg9[%add3A_202, %dma_start3A_215] : memref<524288x768xf32, #tpu.memory_space<hbm>> -> memref<16x768xf32, #tpu.memory_space<hbm>>
        %dma_start3A_217 = arith.constant 0 : i32
        %dma_start3A_218 = tpu.memref_slice %arg13[%mul3A_147, %dma_start3A_217] : memref<64x768xf32, #tpu.memory_space<vmem>> -> memref<16x768xf32, #tpu.memory_space<vmem>>
        tpu.enqueue_dma source(%dma_start3A_218 : memref<16x768xf32, #tpu.memory_space<vmem>>) target(%dma_start3A_216 : memref<16x768xf32, #tpu.memory_space<hbm>>) target_semaphore(%arg19 : memref<!tpu.dma_semaphore, #tpu.memory_space<semaphore_mem>>)
      } else {
      }
      %not3A_206 = arith.constant true
      %not3A_207 = arith.xori %eq3A_150, %not3A_206 : i1
      %convert_element_type3A_208 = arith.extui %not3A_207 : i1 to i32
      %cond3A_209 = arith.constant 0 : i32
      %cond3A_210 = arith.cmpi ne, %convert_element_type3A_208, %cond3A_209 : i32
      scf.if %cond3A_210 {
        %dma_start3A_211 = arith.constant 0 : i32
        %dma_start3A_212 = tpu.memref_slice %arg13[%mul3A_147, %dma_start3A_211] : memref<64x768xf32, #tpu.memory_space<vmem>> -> memref<16x768xf32, #tpu.memory_space<vmem>>
        %dma_start3A_213 = arith.constant 0 : i32
        %dma_start3A_214 = tpu.memref_slice %arg9[%add3A_202, %dma_start3A_213] : memref<524288x768xf32, #tpu.memory_space<hbm>> -> memref<16x768xf32, #tpu.memory_space<hbm>>
        %dma_start3A_215 = arith.constant 0 : i32
        %dma_start3A_216 = tpu.memref_slice %arg9[%add3A_202, %dma_start3A_215] : memref<524288x768xf32, #tpu.memory_space<hbm>> -> memref<16x768xf32, #tpu.memory_space<hbm>>
        %dma_start3A_217 = arith.constant 0 : i32
        %dma_start3A_218 = tpu.memref_slice %arg13[%mul3A_147, %dma_start3A_217] : memref<64x768xf32, #tpu.memory_space<vmem>> -> memref<16x768xf32, #tpu.memory_space<vmem>>
        tpu.enqueue_dma source(%dma_start3A_218 : memref<16x768xf32, #tpu.memory_space<vmem>>) target(%dma_start3A_216 : memref<16x768xf32, #tpu.memory_space<hbm>>) target_semaphore(%arg20 : memref<!tpu.dma_semaphore, #tpu.memory_space<semaphore_mem>>)
      } else {
      }
    }
    %scan3A_88 = arith.constant 1024 : i32
    %dma_wait3A = arith.constant 0 : i32
    %dma_wait3A_89 = arith.constant 0 : i32
    %dma_wait3A_90 = tpu.memref_slice %arg13[%dma_wait3A, %dma_wait3A_89] : memref<64x768xf32, #tpu.memory_space<vmem>> -> memref<16x768xf32, #tpu.memory_space<vmem>>
    %dma_wait3A_91 = arith.constant 0 : i32
    %dma_wait3A_92 = arith.constant 0 : i32
    %dma_wait3A_93 = tpu.memref_slice %arg9[%dma_wait3A_91, %dma_wait3A_92] : memref<524288x768xf32, #tpu.memory_space<hbm>> -> memref<16x768xf32, #tpu.memory_space<hbm>>
    %dma_wait3A_94 = arith.constant 0 : i32
    %dma_wait3A_95 = arith.constant 0 : i32
    %dma_wait3A_96 = tpu.memref_slice %arg9[%dma_wait3A_94, %dma_wait3A_95] : memref<524288x768xf32, #tpu.memory_space<hbm>> -> memref<16x768xf32, #tpu.memory_space<hbm>>
    %dma_wait3A_97 = arith.constant 0 : i32
    %dma_wait3A_98 = arith.constant 0 : i32
    %dma_wait3A_99 = tpu.memref_slice %arg13[%dma_wait3A_97, %dma_wait3A_98] : memref<64x768xf32, #tpu.memory_space<vmem>> -> memref<16x768xf32, #tpu.memory_space<vmem>>
    tpu.wait_dma2 semaphore(%arg19 : memref<!tpu.dma_semaphore, #tpu.memory_space<semaphore_mem>>) src(%dma_wait3A_99 : memref<16x768xf32, #tpu.memory_space<vmem>>) dst(%dma_wait3A_96 : memref<16x768xf32, #tpu.memory_space<hbm>>)
    %dma_wait3A_100 = arith.constant 0 : i32
    %dma_wait3A_101 = arith.constant 0 : i32
    %dma_wait3A_102 = tpu.memref_slice %arg13[%dma_wait3A_100, %dma_wait3A_101] : memref<64x768xf32, #tpu.memory_space<vmem>> -> memref<16x768xf32, #tpu.memory_space<vmem>>
    %dma_wait3A_103 = arith.constant 0 : i32
    %dma_wait3A_104 = arith.constant 0 : i32
    %dma_wait3A_105 = tpu.memref_slice %arg9[%dma_wait3A_103, %dma_wait3A_104] : memref<524288x768xf32, #tpu.memory_space<hbm>> -> memref<16x768xf32, #tpu.memory_space<hbm>>
    %dma_wait3A_106 = arith.constant 0 : i32
    %dma_wait3A_107 = arith.constant 0 : i32
    %dma_wait3A_108 = tpu.memref_slice %arg9[%dma_wait3A_106, %dma_wait3A_107] : memref<524288x768xf32, #tpu.memory_space<hbm>> -> memref<16x768xf32, #tpu.memory_space<hbm>>
    %dma_wait3A_109 = arith.constant 0 : i32
    %dma_wait3A_110 = arith.constant 0 : i32
    %dma_wait3A_111 = tpu.memref_slice %arg13[%dma_wait3A_109, %dma_wait3A_110] : memref<64x768xf32, #tpu.memory_space<vmem>> -> memref<16x768xf32, #tpu.memory_space<vmem>>
    tpu.wait_dma2 semaphore(%arg20 : memref<!tpu.dma_semaphore, #tpu.memory_space<semaphore_mem>>) src(%dma_wait3A_111 : memref<16x768xf32, #tpu.memory_space<vmem>>) dst(%dma_wait3A_108 : memref<16x768xf32, #tpu.memory_space<hbm>>)
    return
  }
}

</mosaic_0001>

<sc_bundles>
// kernel: kernel.3.cloned.1.call-start
scs
__scs_entry_jumppad:
0x0: {  	(pc) =	sbr.rel $0x88, $3  }
0x1: {  	(tag) =	ssettag $0x0;
	lr =	simm.s32 $0x1  }
0x2: {  	[smem:$0x3F9A] =	sst lr;
	_ =	strace $0xD0000000  }
0x3: {  	_ = 	snop  }
0x4: {  	_ = 	snop  }
0x5: {  	_ = 	snop  }
0x6: {  	_ = 	snop  }
0x7: {  	_ = 	snop  }
__scs_overlays_trampoline_lowered:
0x8: {  	[smem:$0x3FA9] =	sst s0  }
0x9: {  	[smem:$0x3FAA] =	sst s1  }
0xa: {  	[smem:$0x3FAB] =	sst s2  }
0xb: {  	[smem:$0x3FAC] =	sst s3  }
0xc: {  	[smem:$0x3FAD] =	sst s4  }
0xd: {  	[smem:$0x3FAE] =	sst s5  }
0xe: {  	[smem:$0x3FAF] =	sst s6  }
0xf: {  	[smem:$0x3FB0] =	sst s7  }
0x10: {  	[smem:$0x3FB1] =	sst s8  }
0x11: {  	[smem:$0x3FB2] =	sst s9;
	s0 =	simm.s32 @!p0 $0x0  }
0x12: {  	s1 =	sld [smem:$0x3F98];
	s0 =	simm.s32 @p0 $0x1  }
0x13: {  	[smem:$0x3FB3] =	sst s0;
	s0 =	simm.s32 @!p1 $0x0  }
0x14: {  	s2 =	sld [smem:$0x3F97];
	s0 =	simm.s32 @p1 $0x1  }
0x15: {  	[smem:$0x3FB4] =	sst s0;
	s0 =	simm.s32 @!p2 $0x0  }
0x16: {  	s3 =	sld [smem:$0x3FDB];
	s0 =	simm.s32 @p2 $0x1  }
0x17: {  	s4 =	simm.s32 $0x1BF5;
	[smem:$0x3FB6] =	sst s0  }
0x18: {  	s0 =	sld [smem:$0x3F99];
	_ =	swait.ge [sflag:s4], $0x0  }
0x19: {  	s7 =	sld [smem:$0x3F9A]  }
0x1a: {  	s8 =	sadd.s32 $0xFFFFE003, lr  }
0x1b: {  	s9 =	sadd.s32 $0xFFFFFEF7, lr;
	s5 =	simm.s32 $0xFFFFFFFF;
	p2 =	slt.u32 s8, $0xFFFFF086  }
0x1c: {  	p1 =	slt.u32 s9, $0xF7A;
	s5 =	simm.s32 @!p2 $0x0  }
0x1d: {  	s5 =	simm.s32 @p1 $0x1;
	p0 =	seq.s32 s7, s2  }
0x1e: {  	s7 =	smul.u32 @!p0 $0xF7A, s2;
	p2 =	seq.s32 @!p0 s5, $0x0  }
0x1f: {  	s9 =	smul.u32 $0xF7A, s1;
	s8 =	simm.s32 @!p0 $0x1BF5;
	p2 =	por !p2, p0  }
0x20: {  	[sflag:s8] =	ssyncset.s32 @!p0 $0xFFFFF086;
	s6 =	sadd.s32 @!p0 s3, s7;
	s7 =	simm.s32 @!p0 $0x108  }
0x21: {  	s3 =	sadd.s32 s3, s9;
	s6 =	sadd.s32 @!p0 $0x88, s6;
	s7 =	simm.s32 @p2 $0x1082  }
0x22: {  	[simem:s7], [sflag:s8] =	dma.local @!p0 [hbm:s6], $0xF7A  }
0x23: {  	s9 =	sor.u32 $0xD0000000, s2;
	s6 =	simm.s32 $0x108;
	_ =	swait.ge @!p0 [sflag:s8], $0x0  }
0x24: {  	s3 =	sadd.s32 $0x88, s3;
	s6 =	simm.s32 @!p1 $0x1082;
	[sflag:s4] =	ssyncset.s32 $0xFFFFF086  }
0x25: {  	[simem:s6], [sflag:s4] =	dma.local [hbm:s3], $0xF7A  }
0x26: {  	[smem:$0x3F9A] =	sst s1;
	(tag) =	ssettag s2;
	_ =	strace s9  }
0x27: {  	s1 =	sld [smem:$0x3FAA]  }
0x28: {  	s2 =	sld [smem:$0x3FAB]  }
0x29: {  	s4 =	sld [smem:$0x3FAD]  }
0x2a: {  	p0 =	seq.s32 s5, $0x0;
	s5 =	sld [smem:$0x3FAE]  }
0x2b: {  	s6 =	sld [smem:$0x3FAF]  }
0x2c: {  	s7 =	sld [smem:$0x3FB0]  }
0x2d: {  	s3 =	simm.s32 $0x108;
	s8 =	sld [smem:$0x3FB1]  }
0x2e: {  	s3 =	simm.s32 @!p0 $0x1082;
	s9 =	sld [smem:$0x3FB2]  }
0x2f: {  	lr =	sadd.s32 s0, s3;
	s0 =	sld [smem:$0x3FA9]  }
0x30: {  	s3 =	sld [smem:$0x3FAC]  }
0x31: {  	[smem:$0x3FB5] =	sst s10  }
0x32: {  	s10 =	sld [smem:$0x3FB3];
	_ =	sdelay $0x3  }
0x33: {  	p0 =	seq.s32 s10, $0x1;
	s10 =	sld [smem:$0x3FB5];
	_ =	sdelay $0x3  }
0x34: {  	[smem:$0x3FB5] =	sst s10  }
0x35: {  	s10 =	sld [smem:$0x3FB4];
	_ =	sdelay $0x3  }
0x36: {  	p1 =	seq.s32 s10, $0x1;
	s10 =	sld [smem:$0x3FB5];
	_ =	sdelay $0x3  }
0x37: {  	[smem:$0x3FB5] =	sst s10  }
0x38: {  	s10 =	sld [smem:$0x3FB6]  }
0x39: {  	_ = 	snop;
	(pc) =	sbr.ind lr, $3  }
0x3a: {  	_ = 	snop  }
0x3b: {  	_ = 	snop  }
0x3c: {  	p2 =	seq.s32 s10, $0x1;
	s10 =	sld [smem:$0x3FB5]  }
0x3d: {  	_ =	shalt  }
0x3e: {  	_ =	shalt  }
0x3f: {  	_ =	shalt  }
0x40: {  	_ =	shalt  }
0x41: {  	_ =	shalt  }
0x42: {  	_ =	shalt  }
0x43: {  	_ =	shalt  }
0x44: {  	_ =	shalt  }
0x45: {  	_ =	shalt  }
0x46: {  	_ =	shalt  }
0x47: {  	_ =	shalt  }
0x48: {  	_ =	shalt  }
0x49: {  	_ =	shalt  }
0x4a: {  	_ =	shalt  }
0x4b: {  	_ =	shalt  }
0x4c: {  	_ =	shalt  }
0x4d: {  	_ =	shalt  }
0x4e: {  	_ =	shalt  }
0x4f: {  	_ =	shalt  }
0x50: {  	_ =	shalt  }
0x51: {  	_ =	shalt  }
0x52: {  	_ =	shalt  }
0x53: {  	_ =	shalt  }
0x54: {  	_ =	shalt  }
0x55: {  	_ =	shalt  }
0x56: {  	_ =	shalt  }
0x57: {  	_ =	shalt  }
0x58: {  	_ =	shalt  }
0x59: {  	_ =	shalt  }
0x5a: {  	_ =	shalt  }
0x5b: {  	_ =	shalt  }
0x5c: {  	_ =	shalt  }
0x5d: {  	_ =	shalt  }
0x5e: {  	_ =	shalt  }
0x5f: {  	_ =	shalt  }
0x60: {  	_ =	shalt  }
0x61: {  	_ =	shalt  }
0x62: {  	_ =	shalt  }
0x63: {  	_ =	shalt  }
0x64: {  	_ =	shalt  }
0x65: {  	_ =	shalt  }
0x66: {  	_ =	shalt  }
0x67: {  	_ =	shalt  }
0x68: {  	_ =	shalt  }
0x69: {  	_ =	shalt  }
0x6a: {  	_ =	shalt  }
0x6b: {  	_ =	shalt  }
0x6c: {  	_ =	shalt  }
0x6d: {  	_ =	shalt  }
0x6e: {  	_ =	shalt  }
0x6f: {  	_ =	shalt  }
0x70: {  	_ =	shalt  }
0x71: {  	_ =	shalt  }
0x72: {  	_ =	shalt  }
0x73: {  	_ =	shalt  }
0x74: {  	_ =	shalt  }
0x75: {  	_ =	shalt  }
0x76: {  	_ =	shalt  }
0x77: {  	_ =	shalt  }
0x78: {  	_ =	shalt  }
0x79: {  	_ =	shalt  }
0x7a: {  	_ =	shalt  }
0x7b: {  	_ =	shalt  }
0x7c: {  	_ =	shalt  }
0x7d: {  	_ =	shalt  }
0x7e: {  	_ =	shalt  }
0x7f: {  	_ =	shalt  }
0x80: {  	_ =	shalt  }
0x81: {  	_ =	shalt  }
0x82: {  	_ =	shalt  }
0x83: {  	_ =	shalt  }
0x84: {  	_ =	shalt  }
0x85: {  	_ =	shalt  }
0x86: {  	_ =	shalt  }
0x87: {  	_ =	shalt  }
.Lfunc_end0:
.L_simem_size_0:
called_computation_lowered:
.L_overlay_start_0:
0x88: {  	s2 =	sld [smem:$0x3FD9]  }
0x89: {  	s3 =	sld [smem:$0x3FFE];
	_ =	sdelay $0x1  }
0x8a: {  	s1 =	srdreg.scid  }
0x8b: {  	s0 =	sand.u32 $0x1, s1  }
0x8c: {  	s17 =	sshll.u32 s0, $0xA;
	s2 =	sadd.s32 s3, s2  }
0x8d: {  	s2 =	sadd.s32 s2, s17  }
0x8e: {  	[smem:$0x3FC1] =	sst s2  }
0x8f: {  	_ = 	snop  }
0x90: {  	s2 =	sld [smem:$0x3FC7]  }
0x91: {  	s18 =	sld [smem:$0x3FC4]  }
0x92: {  	s4 =	sld [smem:$0x3FC3]  }
0x93: {  	s5 =	sld [smem:$0x3FD0];
	(tm) =	ssettm $0x1  }
0x94: {  	s6 =	sld [smem:$0x3FFB];
	_ =	sdelay $0x3  }
0x95: {  	_ =	strace s6  }
0x96: {  	s6 =	sld [smem:$0x3FFC];
	_ =	sdelay $0x3  }
0x97: {  	_ =	strace s6  }
0x98: {  	s6 =	sld [smem:$0x3FFD];
	_ =	sdelay $0x3  }
0x99: {  	_ =	strace s6  }
0x9a: {  	_ =	strace $0x8FFFFFFF  }
0x9b: {  	s19 =	sld [smem:$0x3FDB];
	_ =	sdelay $0x1  }
0x9c: {  	s7 =	simm.s32 $_scs_section_size  }
0x9d: {  	s8 =	simm.s32 $_size__tile_overlayer_lowered;
	s9 =	simm.s32 $_tile_overlayer_lowered  }
0x9e: {  	s22 =	simm.s32 $0x1BFF;
	s21 =	sshll.u32 s9, $0x1;
	s6 =	sadd.s32 s7, s19  }
0x9f: {  	s10 =	simm.s32 $0x0;
	s20 =	sshll.u32 s8, $0x1;
	s8 =	sadd.s32 s21, s6  }
0xa0: {  	[timem:s10], [sflag:s22] =	dma.local [hbm:s8], s20  }
0xa1: {  	_ =	swait.ge [sflag:s22], s20  }
0xa2: {  	s7 =	ssub.s32 $0x0, s20;
	[sflag:s22] =	ssyncset.done $0x0  }
0xa3: {  	[sflag:s22] =	ssyncadd.s32 s7;
	_ =	sdelay $0x1  }
0xa4: {  	s23 =	simm.s32 $0x1B8B  }
0xa5: {  	_ =	swait.ge [sflag:s23], $0x1  }
0xa6: {  	[sflag:s23] =	ssyncset.done $0x0  }
0xa7: {  	s25 =	simm.s32 $0x1B8E;
	s24 =	sld [smem:$0x3FFE];
	[sflag:s23] =	ssyncadd.s32 $0xFFFFFFFF  }
0xa8: {  	s26 =	simm.s32 $execute0_lowered;
	[smem:$0x3FD2] =	sst s25  }
0xa9: {  	s8 =	sshll.u32 s26, $0x1;
	_ =	strace $0x80000046;
	[dreg:$0x1] =	wrdreg $0xFFFFFFFF  }
0xaa: {  	s28 =	simm.s32 $_size_execute0_lowered;
	s6 =	sadd.s32 s6, s8;
	[dreg:$0x0] =	wrdreg $0x0  }
0xab: {  	s8 =	sshll.u32 s28, $0x1;
	[dreg:$0x2] =	wrdreg s6  }
0xac: {  	[dreg:$0x3] =	wrdreg s8  }
0xad: {  	[dreg:$0x4] =	wrdreg $0xC0  }
0xae: {  	_ =	task [dreg:s10], $0x5FFFF  }
0xaf: {  	[dreg:$0x1] =	wrdreg $0xFFFFFFFF  }
0xb0: {  	[dreg:$0x0] =	wrdreg $0x60  }
0xb1: {  	[dreg:$0x2] =	wrdreg s24  }
0xb2: {  	[dreg:$0x3] =	wrdreg s2  }
0xb3: {  	[dreg:$0x4] =	wrdreg s18  }
0xb4: {  	[dreg:$0x5] =	wrdreg s4  }
0xb5: {  	[dreg:$0x6] =	wrdreg s5  }
0xb6: {  	[dreg:$0x7] =	wrdreg $0x9  }
0xb7: {  	_ =	task.clear_ibuf [dreg:s10], $0x8FFFF;
	_ =	strace $0x90000046  }
0xb8: {  	s29 =	simm.s32 $0x9;
	_ =	strace $0x80000048  }
0xb9: {  	_ =	swait.ge [sflag:s29], $0x1  }
0xba: {  	[sflag:s29] =	ssyncadd.s32 $0xFFFFFFFF  }
0xbb: {  	_ =	strace $0x90000048  }
0xbc: {  	_ =	sfence  }
0xbd: {  	s30 =	sld [smem:$0x0];
	_ =	sdelay $0x2  }
0xbe: {  	s31 =	sshll.u32 s1, $0xD;
	s1 =	sshrl.u32 s1, $0x2  }
0xbf: {  	s3 =	sand.u32 $0x4000, s31;
	s1 =	sadd.s32 s1, s30  }
0xc0: {  	s0 =	sor.u32 s3, s0;
	s1 =	sshll.u32 s1, $0x11  }
0xc1: {  	s0 =	sor.u32 s1, s0  }
0xc2: {  	s0 =	sadd.s32 $0x8F2B, s0  }
0xc3: {  	[sflag:s0] =	ssyncadd.remote.s32 $0x1  }
0xc4: {  	_ =	sfence.sel $0xFFFF  }
0xc5: {  	[dreg:$0x0] =	wrdreg $0xFFFFFFFF;
	(pc) =	sbr.abs _section_cstart, $3  }
0xc6: {  	[dreg:$0x1] =	wrdreg $0xFFFFFFFF  }
0xc7: {  	_ =	task.clear_ibuf [dreg:s10], $0x2FFFF;
	_ =	strace $0x9FFFFFFF  }
0xc8: {  	(tm) =	ssettm $0x7FFFFFFF  }
0xc9: {  	_ =	shalt  }
tec
execute0_lowered:
.L_overlay_start_1:
0x0: {  	(tag) =	ssettag $0x1  }
0x1: {  	v0 =	vimm.s32 $0xBA98FEDC;
	v1 =	vimm.s32 $0x32107654  }
0x2: {  	v2 =	vunpack.c.l.s4.s8 v0;
	v3 =	vunpack.c.l.s4.s8 v1  }
0x3: {  	s10 =	rddreg [dreg:$0x0];
	v5 =	vimm.s32 $0xFEDCBA98;
	v8 =	vimm.s32 $0x67452301  }
0x4: {  	s2 =	rddreg [dreg:$0x1];
	v5 =	vunpack.c.l.s4.s8 v5;
	v2 =	vunpack.c.0.s8.s32 v2;
	v3 =	vunpack.c.0.s8.s32 v3  }
0x5: {  	s6 =	rddreg [dreg:$0x4];
	s7 =	simm.s32 $0x0;
	v4 =	vimm.s32 $0x76543210;
	v6 =	vimm.s32 $0xDCFE98BA;
	v8 =	vunpack.c.l.s4.s8 v8  }
0x6: {  	s0 =	srdreg.scid;
	s1 =	stileid.u32;
	s16 =	simm.s32 $0x2;
	v4 =	vunpack.c.l.s4.s8 v4;
	v5 =	vunpack.c.0.s8.s32 v5;
	v7 =	vcombine.low v3, v2  }
0x7: {  	s17 =	simm.s32 $0x0;
	s0 =	sand.u32 $0x1, s0;
	s1 =	sshll.u32 s1, $0x1;
	v2 =	vunpack.c.l.s4.s8 v6;
	v3 =	vimm.s32 $0x54761032;
	v6 =	vimm.s32 $0xEFCDAB89  }
0x8: {  	[smem:$0x7FF] =	sst s7;
	s8 =	sadd.s32 $0x200, s10;
	s1 =	sor.u32 s0, s1;
	v3 =	vunpack.c.l.s4.s8 v3;
	v6 =	vunpack.c.l.s4.s8 v6  }
0x9: {  	_ =	strace $0x80000047;
	s0 =	ssub.s32 $0x2, s0;
	s3 =	sshll.u32 s1, $0xB;
	v8 =	vunpack.c.0.s8.s32 v8;
	v4 =	vunpack.c.0.s8.s32 v4;
	v5 =	vand.u32 $0xF, v5  }
0xa: {  	s4 =	sshll.u32 s1, $0x7;
	s5 =	sshrl.u32 s0, $0x1;
	s29 =	sadd.s32 s3, s10;
	v2 =	vunpack.c.0.s8.s32 v2;
	v3 =	vunpack.c.0.s8.s32 v3;
	v6 =	vunpack.c.0.s8.s32 v6  }
0xb: {  	vm0 =	vmmov $0xffff;
	v0 =	vlaneseq.u32;
	s9 =	sshll.u32 s1, $0xE;
	s30 =	sadd.s32 s4, s10;
	s1 =	sadd.s32 $0xC200, s29;
	v4 =	vcombine.low v5, v4  }
0xc: {  	v1 =	vand.u32 $0x7, v0;
	s0 =	ssub.s32 s0, s5;
	s31 =	sadd.s32 $0x1C200, s30;
	[dreg:$0x7] =	wrdreg s1;
	v9 =	vcombine.low v3, v2;
	v8 =	vcombine.low v8, v6  }
0xd: {  	s12 =	sadd.s32 $0x100, s2;
	s0 =	smax.u32 s0, $0x1;
	[dreg:$0x8] =	wrdreg s31;
	v5 =	vand.u32 $0xF, v7;
	v2 =	vshrl.u32 v0, $0x3;
	v3 =	vor.u32 $0x8, v0  }
0xe: {  	s13 =	sadd.s32 $0x200, s2;
	s5 =	simm.s32 $0x1;
	[dreg:$0x9] =	wrdreg s0;
	v2 =	vmul.u32 $0x8, v2;
	v6 =	vand.u32 $0xF, v9;
	v7 =	vand.u32 $0xF, v8  }
.LBB2_1:
0xf: {  	s0 =	rddreg [dreg:$0x7];
	s1 =	simm.s32 $0x5  }
0x10: {  	[tilespmem:s7], [sflag:$0x5] =	stream.linear.gather [hbm4b:s0+s7], $0x4000, $0x38;
	[tilespmem:$0x13D00] =	vst v63  }
0x11: {  	_ =	swait.ge [sflag:s1], $0x4000  }
0x12: {  	[sflag:s1] =	ssyncset.done $0x0  }
0x13: {  	s3 =	simm.s32 $0x4000;
	s31 =	rddreg [dreg:$0x8];
	[sflag:s1] =	ssyncadd.s32 $0xFFFFC000  }
0x14: {  	[tilespmem:s3], [sflag:$0x5] =	stream.linear.gather [hbm4b:s31+s7], $0x400, $0x38;
	[tilespmem:$0x13D00] =	vst v63  }
0x15: {  	_ =	swait.ge [sflag:s1], $0x400  }
0x16: {  	[sflag:s1] =	ssyncset.done $0x0  }
0x17: {  	[sflag:s1] =	ssyncadd.s32 $0xFFFFFC00  }
0x18: {  	s10 =	simm.s32 $0x13400;
	s4 =	rddreg [dreg:$0x2]  }
0x19: {  	[tilespmem:s10], [sflag:$0x5] =	stream.linear.gather [hbm4b:s4+s7], $0x300, $0x38;
	[tilespmem:$0x13D00] =	vst v63  }
0x1a: {  	_ =	swait.ge [sflag:s1], $0x300  }
0x1b: {  	[sflag:s1] =	ssyncset.done $0x0  }
0x1c: {  	[sflag:s1] =	ssyncadd.s32 $0xFFFFFD00  }
0x1d: {  	s14 =	simm.s32 $0x13700;
	s11 =	rddreg [dreg:$0x3]  }
0x1e: {  	[tilespmem:s14], [sflag:$0x5] =	stream.linear.gather [hbm4b:s11+s7], $0x300, $0x38;
	[tilespmem:$0x13D00] =	vst v63  }
0x1f: {  	_ =	swait.ge [sflag:s1], $0x300  }
0x20: {  	[sflag:s1] =	ssyncset.done $0x0  }
0x21: {  	[sflag:s1] =	ssyncadd.s32 $0xFFFFFD00  }
0x22: {  	s18 =	simm.s32 $0x13A00;
	s15 =	rddreg [dreg:$0x0]  }
0x23: {  	[tilespmem:s18], [sflag:$0x5] =	stream.linear.gather [hbm4b:s15+s7], $0x300, $0x38;
	[tilespmem:$0x13D00] =	vst v63  }
0x24: {  	_ =	swait.ge [sflag:s1], $0x300  }
0x25: {  	[sflag:s1] =	ssyncset.done $0x0  }
0x26: {  	[sflag:s1] =	ssyncadd.s32 $0xFFFFFD00  }
0x27: {  	v8 =	vld [tilespmem:$0x0];
	_ =	sdelay $0x4  }
0x28: {  	v9 =	vshrl.u32 v8, $0x3  }
0x29: {  	v9 =	vmul.u32 $0x30, v9  }
0x2a: {  	v8 =	vand.u32 $0x7, v8  }
0x2b: {  	v8 =	vor.u32 v8, v9  }
0x2c: {  	v9 =	vperm.xlane v8, v1;
	_ =	sdelay $0x1  }
0x2d: {  	v9 =	vadd.s32 v2, v9;
	_ =	sdelay $0x3  }
0x2e: {  	s19 =	simm.s32 $0x7400;
	v8 =	vperm.xlane v8, v3  }
0x2f: {  	[tilespmem:s19], [sflag:$0x1] =	stream.indirect_vreg.gather [hbm4b:s2+s7], $0x80, v9, vm0, $0xb8;
	[tilespmem:$0x13D00] =	vst v63  }
0x30: {  	s20 =	simm.s32 $0x7C00;
	v8 =	vadd.s32 v2, v8  }
0x31: {  	[tilespmem:s20], [sflag:$0x1] =	stream.indirect_vreg.gather [hbm4b:s12+s7], $0x80, v9, vm0, $0xb8;
	[tilespmem:$0x13D00] =	vst v63  }
0x32: {  	s21 =	simm.s32 $0x8400  }
0x33: {  	[tilespmem:s21], [sflag:$0x1] =	stream.indirect_vreg.gather [hbm4b:s13+s7], $0x80, v9, vm0, $0xb8;
	[tilespmem:$0x13D00] =	vst v63  }
0x34: {  	s22 =	simm.s32 $0x8C00  }
0x35: {  	[tilespmem:s22], [sflag:$0x1] =	stream.indirect_vreg.gather [hbm4b:s2+s7], $0x80, v8, vm0, $0xb8;
	[tilespmem:$0x13D00] =	vst v63  }
0x36: {  	s23 =	simm.s32 $0x9400  }
0x37: {  	[tilespmem:s23], [sflag:$0x1] =	stream.indirect_vreg.gather [hbm4b:s12+s7], $0x80, v8, vm0, $0xb8;
	[tilespmem:$0x13D00] =	vst v63  }
0x38: {  	s24 =	simm.s32 $0x9C00  }
0x39: {  	[tilespmem:s24], [sflag:$0x1] =	stream.indirect_vreg.gather [hbm4b:s13+s7], $0x80, v8, vm0, $0xb8;
	[tilespmem:$0x13D00] =	vst v63  }
0x3a: {  	v8 =	vld [tilespmem:$0x200];
	_ =	sdelay $0x4  }
0x3b: {  	v63 =	vshrl.u32 v8, $0x3  }
0x3c: {  	v9 =	vmul.u32 $0x30, v63  }
0x3d: {  	v8 =	vand.u32 $0x7, v8  }
0x3e: {  	v8 =	vor.u32 v8, v9  }
0x3f: {  	v9 =	vperm.xlane v8, v1;
	_ =	sdelay $0x1  }
0x40: {  	v9 =	vadd.s32 v2, v9;
	_ =	sdelay $0x3  }
0x41: {  	s25 =	simm.s32 $0xA400;
	v8 =	vperm.xlane v8, v3  }
0x42: {  	[tilespmem:s25], [sflag:$0x2] =	stream.indirect_vreg.gather [hbm4b:s2+s7], $0x80, v9, vm0, $0xb8;
	[tilespmem:$0x13D00] =	vst v63  }
0x43: {  	s26 =	simm.s32 $0xAC00;
	v8 =	vadd.s32 v2, v8  }
0x44: {  	[tilespmem:s26], [sflag:$0x2] =	stream.indirect_vreg.gather [hbm4b:s12+s7], $0x80, v9, vm0, $0xb8;
	[tilespmem:$0x13D00] =	vst v63  }
0x45: {  	s28 =	simm.s32 $0xB400  }
0x46: {  	[tilespmem:s28], [sflag:$0x2] =	stream.indirect_vreg.gather [hbm4b:s13+s7], $0x80, v9, vm0, $0xb8;
	[tilespmem:$0x13D00] =	vst v63  }
0x47: {  	s29 =	simm.s32 $0xBC00  }
0x48: {  	[tilespmem:s29], [sflag:$0x2] =	stream.indirect_vreg.gather [hbm4b:s2+s7], $0x80, v8, vm0, $0xb8;
	[tilespmem:$0x13D00] =	vst v63  }
0x49: {  	s30 =	simm.s32 $0xC400  }
0x4a: {  	[tilespmem:s30], [sflag:$0x2] =	stream.indirect_vreg.gather [hbm4b:s12+s7], $0x80, v8, vm0, $0xb8;
	[tilespmem:$0x13D00] =	vst v63  }
0x4b: {  	s31 =	simm.s32 $0xCC00;
	s18 =	simm.s32 $0x0;
	s19 =	simm.s32 $0x0  }
0x4c: {  	[tilespmem:s31], [sflag:$0x2] =	stream.indirect_vreg.gather [hbm4b:s13+s7], $0x80, v8, vm0, $0xb8;
	[tilespmem:$0x13D00] =	vst v63  }
.LBB2_2:
0x4d: {  	s1 =	sand.u32 $0x1F, s19  }
0x4e: {  	p0 =	sne.s32 s1, $0x0  }
0x4f: {  	s0 =	sshrl.u32 @!p0 s19, $0x4  }
0x50: {  	s20 =	sand.u32 $0x1, s19;
	s0 =	smul.u32 @!p0 $0x300, s0  }
0x51: {  	p1 =	sne.s32 s20, $0x0  }
0x52: {  	s10 =	simm.s32 @!p0 $0x0;
	s11 =	simm.s32 @!p0 $0x4400;
	s0 =	sadd.s32 @!p0 s8, s0  }
0x53: {  	[tilespmem:s11], [sflag:$0x5] =	stream.linear.gather @!p0 [hbm4b:s0+s10], $0x3000, $0x38;
	[tilespmem:$0x13D00] =	vst v63  }
.Ltmp0:
0x54: {  	_ = 	snop;
	(pc) =	sbr.rel @p1 .LBB2_5-.Ltmp0, $4  }
0x55: {  	s0 =	simm.s32 @!p0 $0x5  }
0x56: {  	_ =	swait.ge @!p0 [sflag:s0], $0x3000  }
0x57: {  	[sflag:s0] =	ssyncset.done @!p0 $0x0  }
0x58: {  	[sflag:s0] =	ssyncadd.s32 @!p0 $0xFFFFD000;
	p0 =	slt.u32 s19, $0x2  }
0x59: {  	p1 =	slt.u32 @!p0 s19, $0x3FE  }
0x5a: {  	_ =	swait.ge [sflag:s5], $0x3000;
	p1 =	por p0, p1  }
.Ltmp1:
0x5b: {  	[sflag:s5] =	ssyncset.done $0x0;
	(pc) =	sbr.rel @!p1 .LBB2_8-.Ltmp1, $4  }
0x5c: {  	s0 =	simm.s32 @!p0 $0x3;
	[sflag:s5] =	ssyncadd.s32 $0xFFFFD000  }
0x5d: {  	_ =	swait.ge @!p0 [sflag:s0], $0x3000  }
0x5e: {  	[sflag:s0] =	ssyncset.done @!p0 $0x0  }
0x5f: {  	[sflag:s0] =	ssyncadd.s32 @!p0 $0xFFFFD000  }
.Ltmp2:
0x60: {  	(pc) =	sbr.rel .LBB2_7-.Ltmp2, $3  }
0x61: {  	_ =	sdelay $0x1  }
0x62: {  	s10 =	simm.s32 @!p0 $0x4;
	s0 =	simm.s32 @!p0 $0x1;
	s11 =	simm.s32 @!p0 $0xF000  }
0x63: {  	s10 =	simm.s32 @p0 $0x4;
	s11 =	simm.s32 @p0 $0xF000;
	s0 =	simm.s32 @p0 $0x1  }
.LBB2_5:
0x64: {  	p1 =	sgt.u32 @!p0 s19, $0x3FD  }
0x65: {  	_ =	swait.ge [sflag:s16], $0x3000;
	p1 =	por p0, !p1  }
.Ltmp3:
0x66: {  	[sflag:s16] =	ssyncset.done $0x0;
	(pc) =	sbr.rel @!p1 .LBB2_8-.Ltmp3, $4  }
0x67: {  	s0 =	simm.s32 @!p0 $0x4;
	[sflag:s16] =	ssyncadd.s32 $0xFFFFD000  }
0x68: {  	_ =	swait.ge @!p0 [sflag:s0], $0x3000  }
0x69: {  	[sflag:s0] =	ssyncset.done @!p0 $0x0  }
0x6a: {  	[sflag:s0] =	ssyncadd.s32 @!p0 $0xFFFFD000  }
0x6b: {  	s10 =	simm.s32 @!p0 $0x6;
	s0 =	simm.s32 @!p0 $0x2;
	s11 =	simm.s32 @!p0 $0xF800  }
0x6c: {  	s10 =	simm.s32 @p0 $0x6;
	s11 =	simm.s32 @p0 $0xF800;
	s0 =	simm.s32 @p0 $0x2  }
.LBB2_7:
0x6d: {  	s21 =	sadd.s32 $0x2, s19  }
0x6e: {  	s22 =	sshll.u32 s21, $0xB  }
0x6f: {  	s24 =	sshrl.u32 s21, $0x1;
	s11 =	sand.u32 s11, s22  }
0x70: {  	s22 =	sand.u32 $0x3F0, s24;
	s11 =	sshrl.u32 s11, $0x2  }
0x71: {  	s11 =	sadd.s32 s22, s11  }
0x72: {  	v8 =	vld [tilespmem:s11+$0x0];
	_ =	sdelay $0x4  }
0x73: {  	v9 =	vshrl.u32 v8, $0x3  }
0x74: {  	v9 =	vmul.u32 $0x30, v9  }
0x75: {  	v8 =	vand.u32 $0x7, v8  }
0x76: {  	v8 =	vor.u32 v8, v9  }
0x77: {  	v9 =	vperm.xlane v8, v1  }
0x78: {  	s25 =	sshll.u32 s21, $0x1  }
0x79: {  	s10 =	sand.u32 s10, s25;
	v9 =	vadd.s32 v2, v9  }
0x7a: {  	s10 =	smul.u32 $0x6000, s10;
	_ =	sdelay $0x1  }
0x7b: {  	s10 =	sshrl.u32 s10, $0x2  }
0x7c: {  	s26 =	sadd.s32 $0x7400, s10;
	v8 =	vperm.xlane v8, v3  }
0x7d: {  	[tilespmem:s26], [sflag:s0] =	stream.indirect_vreg.gather [hbm4b:s2+s7], $0x80, v9, vm0, $0xb8;
	[tilespmem:$0x13D00] =	vst v63  }
0x7e: {  	s28 =	sadd.s32 $0x7C00, s10;
	v8 =	vadd.s32 v2, v8  }
0x7f: {  	[tilespmem:s28], [sflag:s0] =	stream.indirect_vreg.gather [hbm4b:s12+s7], $0x80, v9, vm0, $0xb8;
	[tilespmem:$0x13D00] =	vst v63  }
0x80: {  	s29 =	sadd.s32 $0x8400, s10  }
0x81: {  	[tilespmem:s29], [sflag:s0] =	stream.indirect_vreg.gather [hbm4b:s13+s7], $0x80, v9, vm0, $0xb8;
	[tilespmem:$0x13D00] =	vst v63  }
0x82: {  	s30 =	sadd.s32 $0x8C00, s10  }
0x83: {  	[tilespmem:s30], [sflag:s0] =	stream.indirect_vreg.gather [hbm4b:s2+s7], $0x80, v8, vm0, $0xb8;
	[tilespmem:$0x13D00] =	vst v63  }
0x84: {  	s31 =	sadd.s32 $0x9400, s10  }
0x85: {  	[tilespmem:s31], [sflag:s0] =	stream.indirect_vreg.gather [hbm4b:s12+s7], $0x80, v8, vm0, $0xb8;
	[tilespmem:$0x13D00] =	vst v63  }
0x86: {  	s10 =	sadd.s32 $0x9C00, s10  }
0x87: {  	[tilespmem:s10], [sflag:s0] =	stream.indirect_vreg.gather [hbm4b:s13+s7], $0x80, v8, vm0, $0xb8;
	[tilespmem:$0x13D00] =	vst v63  }
.LBB2_8:
0x88: {  	s0 =	sand.u32 $0x3F0, s19  }
0x89: {  	v8 =	vld [tilespmem:s0+$0x4000];
	_ =	sdelay $0x3  }
0x8a: {  	v9 =	vmov s19  }
0x8b: {  	v8 =	vperm.xlane v8, v9  }
0x8c: {  	s31 =	sand.u32 $0x3, s18;
	s10 =	sshrl.u32 s19, $0x1  }
0x8d: {  	s1 =	sshll.u32 s1, $0x9;
	s11 =	sshll.u32 s19, $0x4;
	s24 =	simm.s32 $0x0;
	v8 =	vshrl.u32 v8, v0  }
0x8e: {  	s25 =	simm.s32 $0x0;
	s10 =	sand.u32 $0x1F0, s10;
	s23 =	sshll.u32 s31, $0x4;
	v8 =	vand.u32 $0x1, v8  }
0x8f: {  	s22 =	sand.u32 $0x30, s11;
	s21 =	sor.u32 s10, s1;
	s1 =	simm.s32 $0x0;
	v8 =	vcvt.s32.f32 v8  }
.LBB2_9:
0x90: {  	s0 =	sor.u32 s22, s25  }
0x91: {  	s0 =	sshrl.u32 s0, $0x3  }
0x92: {  	s0 =	smul.u32 $0x6000, s0  }
0x93: {  	s10 =	sshll.u32 s25, $0x7;
	s11 =	sshrl.u32 s25, $0x3  }
0x94: {  	s10 =	sand.u32 $0x380, s10;
	s11 =	smul.u32 $0x6000, s11;
	s0 =	sshra.s32 s0, $0x2  }
0x95: {  	s0 =	sor.u32 s10, s0  }
0x96: {  	s3 =	sshra.s32 s11, $0x2;
	s0 =	sadd.s32 $0x7400, s0  }
0x97: {  	[dreg:$0x6] =	wrdreg s0;
	s0 =	sor.u32 s10, s3  }
0x98: {  	s14 =	sand.u32 $0x1C00, s1;
	s29 =	simm.s32 $0x13A00;
	s28 =	sadd.s32 $0x4400, s0  }
0x99: {  	s11 =	sand.u32 $0x40, s1;
	s4 =	rddreg [dreg:$0x6];
	s26 =	sadd.s32 s14, s28  }
0x9a: {  	v10 =	vld [tilespmem:s29+$0x0];
	s0 =	sadd.s32 s14, s4;
	s15 =	sadd.s32 s11, s26  }
0x9b: {  	s30 =	sadd.s32 s11, s0;
	v11 =	vld [tilespmem:s15+$0x0]  }
0x9c: {  	v12 =	vld [tilespmem:s30+$0x0];
	_ =	sdelay $0x1  }
0x9d: {  	v9 =	vmov s25  }
0x9e: {  	v9 =	vperm.xlane v8, v9;
	_ =	sdelay $0x1  }
0x9f: {  	v10 =	vmul.f32 v10, v9;
	v11 =	vadd.f32 v11, v12;
	_ =	sdelay $0x1  }
0xa0: {  	s3 =	sand.u32 $0x380, s1;
	v11 =	vadd.f32 v10, v11  }
0xa1: {  	s31 =	sor.u32 $0x10, s11;
	s10 =	sadd.s32 $0x13A00, s3  }
0xa2: {  	[tilespmem:s30+$0x0] =	vst v11;
	s30 =	sor.u32 s31, s10  }
0xa3: {  	s14 =	sadd.s32 s31, s0;
	v10 =	vld [tilespmem:s30+$0x0]  }
0xa4: {  	s30 =	sadd.s32 s31, s26;
	v12 =	vld [tilespmem:s14+$0x0]  }
0xa5: {  	v13 =	vld [tilespmem:s30+$0x0];
	_ =	sdelay $0x4  }
0xa6: {  	v10 =	vmul.f32 v10, v9;
	v12 =	vadd.f32 v13, v12;
	_ =	sdelay $0x1  }
0xa7: {  	v13 =	vadd.f32 v10, v12  }
0xa8: {  	s30 =	sor.u32 $0x20, s11  }
0xa9: {  	s4 =	sadd.s32 s30, s0;
	[tilespmem:s14+$0x0] =	vst v13  }
0xaa: {  	s31 =	sadd.s32 s30, s26;
	v10 =	vld [tilespmem:s4+$0x0]  }
0xab: {  	s30 =	sor.u32 s30, s10;
	v12 =	vld [tilespmem:s31+$0x0]  }
0xac: {  	v14 =	vld [tilespmem:s30+$0x0];
	_ =	sdelay $0x4  }
0xad: {  	v10 =	vadd.f32 v12, v10;
	v12 =	vmul.f32 v14, v9;
	_ =	sdelay $0x1  }
0xae: {  	v15 =	vadd.f32 v12, v10  }
0xaf: {  	s11 =	sor.u32 $0x30, s11  }
0xb0: {  	s10 =	sor.u32 s11, s10;
	[tilespmem:s4+$0x0] =	vst v15  }
0xb1: {  	s15 =	sshrl.u32 s23, $0x3;
	v17 =	vld [tilespmem:s10+$0x0]  }
0xb2: {  	s3 =	smul.u32 $0x6000, s15;
	v14 =	vmul.f32 v11, v11;
	v10 =	vimm.f32 $0.0e+00;
	s4 =	sand.u32 $0x7, s24  }
0xb3: {  	v16 =	vmul.f32 v13, v13;
	v12 =	vadd.f32 v11, v10;
	s14 =	sshll.u32 s4, $0x9  }
0xb4: {  	v11 =	vadd.f32 v14, v10;
	v13 =	vadd.f32 v13, v10;
	v19 =	vmul.f32 v15, v15;
	s10 =	sadd.s32 s11, s0;
	s14 =	sor.u32 s14, s3  }
0xb5: {  	v14 =	vadd.f32 v16, v10;
	v15 =	vadd.f32 v15, v10;
	s11 =	sadd.s32 s11, s26;
	v18 =	vld [tilespmem:s10+$0x0];
	s15 =	sshra.s32 s14, $0x2  }
0xb6: {  	s30 =	simm.s32 $0x40;
	s31 =	simm.s32 $0x0;
	v16 =	vadd.f32 v19, v10;
	v20 =	vld [tilespmem:s11+$0x0];
	s26 =	sadd.s32 $0x7440, s15;
	v19 =	vmul.f32 v17, v9;
	v17 =	vimm.f32 $0.0e+00  }
.LBB2_10:
0xb7: {  	_ =	sdelay $0x3  }
0xb8: {  	v18 =	vadd.f32 v20, v18;
	_ =	sdelay $0x1  }
0xb9: {  	s31 =	sadd.s32 $0x200, s31;
	v18 =	vadd.f32 v19, v18  }
0xba: {  	s29 =	sadd.s32 $0x40, s29;
	s14 =	smov.u32 s30;
	s4 =	sand.u32 $0x1C00, s31  }
0xbb: {  	s3 =	rddreg [dreg:$0x6];
	s11 =	sand.u32 $0x40, s14;
	s0 =	sadd.s32 s4, s28;
	[tilespmem:s10+$0x0] =	vst v18  }
0xbc: {  	v10 =	vadd.f32 v18, v10;
	v18 =	vmul.f32 v18, v18;
	s10 =	sadd.s32 s4, s3;
	s3 =	sadd.s32 s11, s0;
	v19 =	vld [tilespmem:s29+$0x0]  }
0xbd: {  	s15 =	sadd.s32 s11, s10;
	v20 =	vld [tilespmem:s3+$0x0]  }
0xbe: {  	v17 =	vadd.f32 v18, v17;
	v18 =	vld [tilespmem:s15+$0x0];
	_ =	sdelay $0x4  }
0xbf: {  	v19 =	vmul.f32 v19, v9;
	v18 =	vadd.f32 v20, v18;
	_ =	sdelay $0x1  }
0xc0: {  	s14 =	sand.u32 $0x380, s14;
	v18 =	vadd.f32 v19, v18  }
0xc1: {  	s14 =	sadd.s32 $0x13A00, s14;
	s4 =	sor.u32 $0x10, s11  }
0xc2: {  	[tilespmem:s15+$0x0] =	vst v18;
	s15 =	sor.u32 s4, s14  }
0xc3: {  	s3 =	sadd.s32 s4, s0;
	v12 =	vadd.f32 v18, v12;
	v18 =	vmul.f32 v18, v18;
	v19 =	vld [tilespmem:s15+$0x0]  }
0xc4: {  	s4 =	sadd.s32 s4, s10;
	v20 =	vld [tilespmem:s3+$0x0]  }
0xc5: {  	v11 =	vadd.f32 v18, v11;
	v18 =	vld [tilespmem:s4+$0x0];
	_ =	sdelay $0x4  }
0xc6: {  	v19 =	vmul.f32 v19, v9;
	v18 =	vadd.f32 v20, v18;
	_ =	sdelay $0x1  }
0xc7: {  	v18 =	vadd.f32 v19, v18  }
0xc8: {  	s3 =	sor.u32 $0x20, s11  }
0xc9: {  	[tilespmem:s4+$0x0] =	vst v18;
	s4 =	sadd.s32 s3, s10  }
0xca: {  	s15 =	sadd.s32 s3, s0;
	v13 =	vadd.f32 v18, v13;
	v18 =	vmul.f32 v18, v18;
	s3 =	sor.u32 s3, s14;
	v19 =	vld [tilespmem:s4+$0x0]  }
0xcb: {  	v20 =	vld [tilespmem:s3+$0x0]  }
0xcc: {  	v14 =	vadd.f32 v18, v14;
	v18 =	vld [tilespmem:s15+$0x0];
	_ =	sdelay $0x4  }
0xcd: {  	v18 =	vadd.f32 v18, v19;
	v19 =	vmul.f32 v20, v9;
	_ =	sdelay $0x1  }
0xce: {  	v18 =	vadd.f32 v19, v18;
	_ =	sdelay $0x1  }
0xcf: {  	s15 =	sor.u32 $0x30, s11;
	v19 =	vmul.f32 v18, v18  }
0xd0: {  	s3 =	sor.u32 s15, s14;
	[tilespmem:s4+$0x0] =	vst v18  }
0xd1: {  	p0 =	sne.s32 s30, $0x2C0;
	v16 =	vadd.f32 v19, v16;
	v19 =	vld [tilespmem:s3+$0x0]  }
.Ltmp4:
0xd2: {  	_ = 	snop;
	(pc) =	sbr.rel @p0 .LBB2_10-.Ltmp4, $4  }
0xd3: {  	_ = 	snop  }
0xd4: {  	s10 =	sadd.s32 s15, s10  }
0xd5: {  	s0 =	sadd.s32 s15, s0;
	v15 =	vadd.f32 v18, v15;
	v18 =	vld [tilespmem:s10+$0x0]  }
0xd6: {  	s30 =	sadd.s32 $0x40, s30;
	v20 =	vld [tilespmem:s0+$0x0];
	v19 =	vmul.f32 v19, v9  }
0xd7: {  	_ =	sdelay $0x3  }
0xd8: {  	v9 =	vadd.f32 v20, v18;
	_ =	sdelay $0x1  }
0xd9: {  	v18 =	vadd.f32 v19, v9;
	_ =	sdelay $0x1  }
0xda: {  	v9 =	vadd.f32 v18, v10;
	v10 =	vmul.f32 v18, v18  }
0xdb: {  	v12 =	vadd.f32 v13, v12  }
0xdc: {  	v9 =	vadd.f32 v9, v15;
	v10 =	vadd.f32 v10, v17  }
0xdd: {  	v11 =	vadd.f32 v14, v11  }
0xde: {  	v9 =	vadd.f32 v9, v12;
	v10 =	vadd.f32 v10, v16;
	_ =	sdelay $0x1  }
0xdf: {  	v10 =	vadd.f32 v10, v11;
	v11 =	vperm.xlane v9, v4;
	_ =	sdelay $0x1  }
0xe0: {  	v9 =	vadd.f32 v11, v9;
	v11 =	vperm.xlane v10, v4;
	_ =	sdelay $0x1  }
0xe1: {  	v12 =	vperm.xlane v9, v5;
	v10 =	vadd.f32 v11, v10;
	_ =	sdelay $0x1  }
0xe2: {  	v9 =	vadd.f32 v12, v9;
	v11 =	vperm.xlane v10, v5;
	_ =	sdelay $0x1  }
0xe3: {  	v12 =	vperm.xlane v9, v6;
	v10 =	vadd.f32 v11, v10;
	_ =	sdelay $0x1  }
0xe4: {  	v9 =	vadd.f32 v12, v9;
	v11 =	vperm.xlane v10, v6;
	_ =	sdelay $0x1  }
0xe5: {  	v12 =	vperm.xlane v9, v7;
	v10 =	vadd.f32 v11, v10;
	_ =	sdelay $0x1  }
0xe6: {  	v9 =	vadd.f32 v12, v9;
	v11 =	vperm.xlane v10, v7;
	_ =	sdelay $0x1  }
0xe7: {  	v9 =	vmul.f32 $1.302083370e-03, v9;
	v10 =	vadd.f32 v11, v10;
	_ =	sdelay $0x1  }
0xe8: {  	v10 =	vmul.f32 $1.302083370e-03, v10;
	v11 =	vmul.f32 v9, v9;
	_ =	sdelay $0x1  }
0xe9: {  	v10 =	vsub.f32 v10, v11;
	_ =	sdelay $0x1  }
0xea: {  	v10 =	vadd.f32 $9.999999960e-13, v10;
	_ =	sdelay $0x1  }
0xeb: {  	v11 =	vshrl.u32 v10, $0x1;
	v10 =	vmul.f32 $5.000000000e-01, v10  }
0xec: {  	v11 =	vsub.s32 $0x5F3759DF, v11  }
0xed: {  	[tilespmem:s10+$0x0] =	vst v18;
	v12 =	vmul.f32 v11, v10  }
0xee: {  	v13 =	vld [tilespmem:s26+$0x30]  }
0xef: {  	s29 =	simm.s32 $0x13740;
	v14 =	vld [tilespmem:s26+$0xFFFFFFD0];
	v12 =	vmul.f32 v11, v12  }
0xf0: {  	v18 =	vld [tilespmem:s29+$0x30]  }
0xf1: {  	v19 =	vld [tilespmem:s26+$0x10];
	v12 =	vsub.f32 $1.500000000e+00, v12  }
0xf2: {  	v20 =	vld [tilespmem:s26+$0x20]  }
0xf3: {  	s28 =	simm.s32 $0x13440;
	v21 =	vld [tilespmem:s26+$0xFFFFFFC0];
	v11 =	vmul.f32 v11, v12  }
0xf4: {  	v22 =	vld [tilespmem:s28+$0xFFFFFFC0]  }
0xf5: {  	v23 =	vld [tilespmem:s28+$0xFFFFFFD0];
	v10 =	vmul.f32 v11, v10  }
0xf6: {  	v24 =	vld [tilespmem:s28+$0xFFFFFFE0]  }
0xf7: {  	v15 =	vld [tilespmem:s26+$0xFFFFFFE0];
	v10 =	vmul.f32 v10, v11  }
0xf8: {  	v16 =	vld [tilespmem:s26+$0xFFFFFFF0]  }
0xf9: {  	v25 =	vld [tilespmem:s28+$0x0];
	v10 =	vsub.f32 $1.500000000e+00, v10  }
0xfa: {  	v17 =	vld [tilespmem:s28+$0x30]  }
0xfb: {  	v12 =	vld [tilespmem:s26+$0x0];
	v10 =	vmul.f32 v10, v11;
	v11 =	vsub.f32 v13, v9  }
0xfc: {  	v26 =	vld [tilespmem:s28+$0x10];
	v14 =	vsub.f32 v14, v9;
	v15 =	vsub.f32 v15, v9  }
0xfd: {  	v27 =	vld [tilespmem:s28+$0x20];
	v16 =	vsub.f32 v16, v9;
	v21 =	vsub.f32 v21, v9;
	v11 =	vmul.f32 v11, v10  }
0xfe: {  	v30 =	vld [tilespmem:s29+$0xFFFFFFC0];
	v14 =	vmul.f32 v14, v10;
	v15 =	vmul.f32 v15, v10  }
0xff: {  	v13 =	vld [tilespmem:s28+$0xFFFFFFF0];
	v29 =	vmul.f32 v16, v10;
	v16 =	vmul.f32 v21, v10  }
0x100: {  	v28 =	vmul.f32 v11, v17;
	v11 =	vsub.f32 v12, v9;
	v21 =	vmul.f32 v14, v23;
	v23 =	vld [tilespmem:s29+$0xFFFFFFD0]  }
0x101: {  	v12 =	vsub.f32 v19, v9;
	v19 =	vsub.f32 v20, v9;
	v17 =	vld [tilespmem:s29+$0xFFFFFFE0];
	v20 =	vmul.f32 v16, v22  }
0x102: {  	v16 =	vld [tilespmem:s29+$0xFFFFFFF0];
	v14 =	vmul.f32 v11, v10;
	v11 =	vmul.f32 v15, v24;
	v22 =	vadd.f32 v28, v18  }
0x103: {  	v12 =	vmul.f32 v12, v10;
	v63 =	vmul.f32 v19, v10;
	v18 =	vld [tilespmem:s29+$0x0]  }
0x104: {  	v15 =	vmul.f32 v29, v13;
	v19 =	vld [tilespmem:s29+$0x10];
	v14 =	vmul.f32 v14, v25;
	[tilespmem:s26+$0x30] =	vst v22;
	v22 =	vadd.f32 v20, v30  }
0x105: {  	s30 =	simm.s32 $0x0;
	s31 =	sadd.s32 $0x400, s26;
	v12 =	vmul.f32 v12, v26;
	v13 =	vmul.f32 v63, v27;
	v20 =	vld [tilespmem:s29+$0x20];
	v21 =	vadd.f32 v21, v23  }
.LBB2_12:
0x106: {  	v23 =	vld [tilespmem:s31+$0x30];
	s30 =	sadd.s32 $0x8, s30;
	[tilespmem:s26+$0xFFFFFFC0] =	vst v22;
	v11 =	vadd.f32 v11, v17  }
0x107: {  	v17 =	vld [tilespmem:s31+$0xFFFFFFD0];
	p0 =	slt.u32 s30, $0x28;
	[tilespmem:s26+$0xFFFFFFD0] =	vst v21;
	v15 =	vadd.f32 v15, v16  }
0x108: {  	v16 =	vld [tilespmem:s31+$0xFFFFFFE0];
	[tilespmem:s26+$0xFFFFFFE0] =	vst v11;
	v11 =	vadd.f32 v14, v18  }
0x109: {  	s28 =	sadd.s32 $0x80, s28;
	v14 =	vld [tilespmem:s31+$0xFFFFFFF0];
	[tilespmem:s26+$0xFFFFFFF0] =	vst v15;
	v12 =	vadd.f32 v12, v19  }
0x10a: {  	v15 =	vld [tilespmem:s28+$0x30];
	[tilespmem:s26+$0x0] =	vst v11;
	v11 =	vadd.f32 v13, v20  }
0x10b: {  	s29 =	sadd.s32 $0x80, s29;
	v13 =	vld [tilespmem:s31+$0x0];
	v18 =	vsub.f32 v23, v9;
	[tilespmem:s26+$0x10] =	vst v12  }
0x10c: {  	v12 =	vsub.f32 v17, v9;
	v17 =	vld [tilespmem:s29+$0x30];
	[tilespmem:s26+$0x20] =	vst v11;
	s26 =	smov.u32 s31  }
0x10d: {  	v11 =	vsub.f32 v16, v9;
	v16 =	vld [tilespmem:s31+$0x10];
	v18 =	vmul.f32 v18, v10  }
0x10e: {  	v12 =	vmul.f32 v12, v10;
	v14 =	vsub.f32 v14, v9;
	v19 =	vld [tilespmem:s31+$0x20]  }
0x10f: {  	v20 =	vld [tilespmem:s31+$0xFFFFFFC0];
	v11 =	vmul.f32 v11, v10;
	v15 =	vmul.f32 v18, v15  }
0x110: {  	v18 =	vld [tilespmem:s28+$0xFFFFFFC0];
	v14 =	vmul.f32 v14, v10;
	v13 =	vsub.f32 v13, v9  }
0x111: {  	v21 =	vld [tilespmem:s28+$0xFFFFFFD0];
	v15 =	vadd.f32 v15, v17  }
0x112: {  	v17 =	vld [tilespmem:s28+$0xFFFFFFE0];
	v13 =	vmul.f32 v13, v10;
	v16 =	vsub.f32 v16, v9  }
0x113: {  	v22 =	vld [tilespmem:s28+$0xFFFFFFF0];
	v19 =	vsub.f32 v19, v9;
	[tilespmem:s31+$0x30] =	vst v15  }
0x114: {  	v15 =	vsub.f32 v20, v9;
	v20 =	vld [tilespmem:s28+$0x0];
	v23 =	vmul.f32 v16, v10  }
0x115: {  	v24 =	vld [tilespmem:s28+$0x10];
	v19 =	vmul.f32 v19, v10  }
0x116: {  	v15 =	vmul.f32 v15, v10;
	v21 =	vmul.f32 v12, v21;
	v25 =	vld [tilespmem:s28+$0x20]  }
0x117: {  	v26 =	vld [tilespmem:s29+$0xFFFFFFC0];
	v11 =	vmul.f32 v11, v17  }
0x118: {  	v27 =	vmul.f32 v15, v18;
	v28 =	vld [tilespmem:s29+$0xFFFFFFD0];
	v15 =	vmul.f32 v14, v22  }
.Ltmp5:
0x119: {  	v17 =	vld [tilespmem:s29+$0xFFFFFFE0];
	v14 =	vmul.f32 v13, v20;
	(pc) =	sbr.rel @p0 .LBB2_12-.Ltmp5, $4  }
0x11a: {  	v16 =	vld [tilespmem:s29+$0xFFFFFFF0];
	v12 =	vmul.f32 v23, v24  }
0x11b: {  	v18 =	vld [tilespmem:s29+$0x0];
	v13 =	vmul.f32 v19, v25  }
0x11c: {  	v22 =	vadd.f32 v27, v26;
	v19 =	vld [tilespmem:s29+$0x10]  }
0x11d: {  	s31 =	sadd.s32 $0x400, s31;
	v21 =	vadd.f32 v21, v28;
	v20 =	vld [tilespmem:s29+$0x20]  }
0x11e: {  	[tilespmem:s26+$0xFFFFFFC0] =	vst v22;
	v9 =	vadd.f32 v11, v17;
	s25 =	sadd.s32 $0x1, s25  }
0x11f: {  	[tilespmem:s26+$0xFFFFFFD0] =	vst v21;
	v10 =	vadd.f32 v15, v16;
	p0 =	sne.s32 s25, $0x10  }
.Ltmp6:
0x120: {  	[tilespmem:s26+$0xFFFFFFE0] =	vst v9;
	v9 =	vadd.f32 v14, v18;
	(pc) =	sbr.rel @p0 .LBB2_9-.Ltmp6, $4  }
0x121: {  	[tilespmem:s26+$0xFFFFFFF0] =	vst v10;
	v10 =	vadd.f32 v12, v19  }
0x122: {  	[tilespmem:s26+$0x0] =	vst v9;
	v9 =	vadd.f32 v13, v20  }
0x123: {  	[tilespmem:s26+$0x10] =	vst v10  }
0x124: {  	s23 =	sadd.s32 $0x1, s23;
	s24 =	sadd.s32 $0x1, s24;
	[tilespmem:s26+$0x20] =	vst v9  }
0x125: {  	s0 =	sor.u32 s9, s21;
	s1 =	sshrl.u32 s22, $0x3  }
0x126: {  	p0 =	seq.s32 s20, $0x0;
	s3 =	simm.s32 $0x3;
	s19 =	sadd.s32 $0x1, s19  }
0x127: {  	s1 =	smul.u32 $0x6000, s1;
	s3 =	simm.s32 @!p0 $0x4;
	p0 =	sne.s32 s19, $0x400  }
.Ltmp7:
0x128: {  	s0 =	sshrl.u32 s0, $0x3;
	(pc) =	sbr.rel @p0 .LBB2_2-.Ltmp7, $4  }
0x129: {  	s0 =	smul.u32 $0x300, s0  }
0x12a: {  	s1 =	sshrl.u32 s1, $0x2  }
0x12b: {  	s18 =	sadd.s32 $0x1, s18;
	s1 =	sadd.s32 $0x7400, s1;
	s0 =	sadd.s32 s6, s0  }
0x12c: {  	[hbm4b:s0+s7] =	stream.linear.scatter [tilespmem:s1], [sflag:s3], $0x3000, $0x38;
	[tilespmem:$0x13D00] =	vst v63  }
0x12d: {  	s0 =	simm.s32 $0x3  }
0x12e: {  	_ =	swait.ge [sflag:s0], $0x3000  }
0x12f: {  	[sflag:s0] =	ssyncset.done $0x0  }
0x130: {  	s1 =	simm.s32 $0x4;
	[sflag:s0] =	ssyncadd.s32 $0xFFFFD000  }
0x131: {  	_ =	swait.ge [sflag:s1], $0x3000  }
0x132: {  	s17 =	sadd.s32 $0x1, s17;
	s31 =	rddreg [dreg:$0x9]  }
0x133: {  	p0 =	sne.s32 s17, s31  }
.Ltmp8:
0x134: {  	_ = 	snop;
	(pc) =	sbr.rel @p0 .LBB2_1-.Ltmp8, $3  }
0x135: {  	_ =	sdelay $0x1  }
0x136: {  	[sflag:s1] =	ssyncset.done $0x0  }
0x137: {  	[sflag:s1] =	ssyncadd.s32 $0xFFFFD000  }
0x138: {  	_ =	sfence.sel $0x180000  }
0x139: {  	[bflag:$0x0] =	sbarrier.arrive $0xFFFF  }
0x13a: {  	_ =	strace $0x90000047  }
0x13b: {  	s0 =	stileid.u32;
	[bflag:$0x2] =	sbarrier.arrive $0xFFFF  }
0x13c: {  	p0 =	sne.s32 s0, $0x0;
	s0 =	rddreg [dreg:$0x5]  }
0x13d: {  	s0 =	sadd.s32 @!p0 $0x100000, s0  }
0x13e: {  	[sflag:s0] =	ssyncadd.tile.s32 @!p0 $0x1;
	_ =	shalt  }
.Lfunc_end2:
_tile_overlayer_lowered:
.L_overlay_start_2:
0x13f: {  	(tag) =	ssettag $0x2  }
0x140: {  	s0 =	rddreg [dreg:$0x0];
	s2 =	stileid.u32  }
0x141: {  	s1 =	rddreg [dreg:$0x1];
	p0 =	sne.s32 s2, $0x0  }
0x142: {  	s3 =	rddreg [dreg:$0x2];
	[bflag:$0x3] =	sbarrier.arrive $0xFFFF;
	s2 =	simm.s32 @!p0 $0x1C05  }
0x143: {  	[timem:s3], [sflag:s2] =	dma.local @!p0 [hbm:s0], s1  }
0x144: {  	s0 =	simm.s32 @!p0 $0x5  }
0x145: {  	_ =	swait.ge @!p0 [sflag:s0], s1  }
0x146: {  	s1 =	ssub.s32 @!p0 $0x0, s1;
	[sflag:s0] =	ssyncset.done @!p0 $0x0  }
0x147: {  	[sflag:s0] =	ssyncadd.s32 @!p0 s1  }
0x148: {  	[bflag:$0x3] =	sbarrier.arrive $0xFFFF  }
0x149: {  	_ =	shalt  }

</sc_bundles>
